<compile_context>
chip_gen: v7x
topology: tpu7x:2x2x1
jax: 0.10.2.dev20260603
libtpu: 0.0.44.dev20260713+nightly
codegen_flags: <defaults>
</compile_context>

<pallas_src>
import functools

import jax
import jax.numpy as jnp
from jax import lax
from jax.experimental import pallas as pl
from jax.experimental.pallas import tpu as pltpu
from jax.experimental.pallas import tpu_sc as plsc

F = 26
V = 100000
E = 16
B = 16384
NCONT = 13
NCLS = 2

NC = 2
NS = 16
NW = NC * NS
ROWS = F * B
NBW = B // NW
CHUNK = 128
CPF = NBW // CHUNK
LPF = NBW // 8
HALF = F // 2


def _sc_gather(tables, idx):
    mesh = plsc.VectorSubcoreMesh(core_axis_name="c", subcore_axis_name="s")

    @functools.partial(
        pl.kernel,
        mesh=mesh,
        compiler_params=pltpu.CompilerParams(use_tc_tiling_on_sc=False),
        out_type=jax.ShapeDtypeStruct((ROWS // 8, 128), jnp.float32),
        scratch_types=[
            pltpu.VMEM((F * NBW,), jnp.int32),
            pltpu.VMEM((NBW, E), jnp.float32),
            pltpu.VMEM((NBW, E), jnp.float32),
            pltpu.VMEM((LPF, 128), jnp.float32),
            pltpu.VMEM((LPF, 128), jnp.float32),
            pltpu.SemaphoreType.DMA,
            pltpu.SemaphoreType.DMA,
            pltpu.SemaphoreType.DMA,
            pltpu.SemaphoreType.DMA,
            pltpu.SemaphoreType.DMA,
        ],
    )
    def k(tab_hbm, idx_hbm, out_hbm, idx_v, g0, g1, l0, l1,
          semi, semg0, semg1, semo0, semo1):
        wid = lax.axis_index("s") * NC + lax.axis_index("c")
        b0 = wid * NBW

        for f in range(F):
            pltpu.async_copy(idx_hbm.at[f, pl.ds(b0, NBW)],
                             idx_v.at[pl.ds(f * NBW, NBW)], semi)
        pltpu.make_async_copy(idx_hbm.at[0, pl.ds(0, F * NBW)], idx_v,
                              semi).wait()

        def fire(f, gbuf, sem):
            for c in range(CPF):
                pltpu.async_copy(
                    tab_hbm.at[f].at[
                        idx_v.at[pl.ds(f * NBW + c * CHUNK, CHUNK)]],
                    gbuf.at[pl.ds(c * CHUNK, CHUNK)],
                    sem)

        def drain_g(gbuf, sem):
            pltpu.make_async_copy(tab_hbm.at[0, pl.ds(0, NBW)], gbuf,
                                  sem).wait()

        def repack(gbuf, lbuf):
            def lbody(l, carry):
                for m in range(8):
                    lbuf[l, pl.ds(m * E, E)] = gbuf[l * 8 + m]
                return carry

            lax.fori_loop(0, LPF, lbody, 0)

        def start_out(f, lbuf, sem):
            pltpu.async_copy(
                lbuf, out_hbm.at[pl.ds(f * (B // 8) + wid * LPF, LPF)], sem)

        def drain_out(lbuf, sem):
            pltpu.make_async_copy(lbuf, out_hbm.at[pl.ds(0, LPF)], sem).wait()

        fire(0, g0, semg0)

        def body(i, carry):
            a = 2 * i

            @pl.when(i > 0)
            def _():
                drain_out(l1, semo1)

            fire(a + 1, g1, semg1)
            drain_g(g0, semg0)
            repack(g0, l0)
            start_out(a, l0, semo0)

            @pl.when(i < HALF - 1)
            def _():
                drain_out(l0, semo0)
                fire(a + 2, g0, semg0)

            drain_g(g1, semg1)
            repack(g1, l1)
            start_out(a + 1, l1, semo1)
            return carry

        lax.fori_loop(0, HALF, body, 0)
        drain_out(l0, semo0)
        drain_out(l1, semo1)

    return k(tables, idx)


BB8 = 256


def _tc_linear(emb8, xc8, wbd, wcbd, bias8):

    def body(emb_ref, xc_ref, wbd_ref, wcbd_ref, b_ref, out_ref):
        acc = jnp.dot(xc_ref[...], wcbd_ref[...],
                      preferred_element_type=jnp.float32)
        for f in range(F):
            acc += jnp.dot(emb_ref[f], wbd_ref[f],
                           preferred_element_type=jnp.float32)
        out_ref[...] = acc + b_ref[...]

    return pl.pallas_call(
        body,
        grid=(B // 8 // BB8,),
        in_specs=[
            pl.BlockSpec((F, BB8, 128), lambda i: (0, i, 0)),
            pl.BlockSpec((BB8, 8 * NCONT), lambda i: (i, 0)),
            pl.BlockSpec((F, 128, 8 * NCLS), lambda i: (0, 0, 0)),
            pl.BlockSpec((8 * NCONT, 8 * NCLS), lambda i: (0, 0)),
            pl.BlockSpec((1, 8 * NCLS), lambda i: (0, 0)),
        ],
        out_specs=pl.BlockSpec((BB8, 8 * NCLS), lambda i: (i, 0)),
        out_shape=jax.ShapeDtypeStruct((B // 8, 8 * NCLS), jnp.float32),
    )(emb8, xc8, wbd, wcbd, bias8)


def kernel(x_categorical, x_continuous, tables, W, b):
    lines = _sc_gather(tables, x_categorical.astype(jnp.int32))
    emb8 = lines.reshape(F, B // 8, 128)
    eye8 = jnp.eye(8, dtype=jnp.float32)
    wf = W[:, : F * E].T.reshape(F, E, NCLS)
    wbd = jax.vmap(lambda w: jnp.kron(eye8, w))(wf)
    wcbd = jnp.kron(eye8, W[:, F * E:].T)
    bias8 = jnp.tile(b, 8).reshape(1, 8 * NCLS)
    xc8 = x_continuous.reshape(B // 8, 8 * NCONT)
    out8 = _tc_linear(emb8, xc8, wbd, wcbd, bias8)
    return out8.reshape(B, NCLS)

# --- scband reference (transcript-rebuilt; emitter-appended) ---
"""Pipeline reference for scband-py-torch-logistic-regression-27874337751580 (READ-ONLY COPY).

The authoritative reference and input builder live on the scoring server;
editing this copy changes nothing except your own understanding.
"""

import jax, jax.numpy as jnp
import numpy as np

N_FIELDS = 26
VOCAB = 100000
EMB = 16
B = 16384
N_CONT = 13
N_CLS = 2
INPUT_DIM = N_CONT + N_FIELDS * EMB  # 429


def setup_inputs(seed: int = 0) -> dict:
    key = jax.random.key(seed)
    k1, k2, k3, k4, k5 = jax.random.split(key, 5)
    x_categorical = jax.random.randint(k1, (N_FIELDS, B), 0, VOCAB)
    x_continuous = jax.random.normal(k2, (B, N_CONT), dtype=jnp.float32)
    # learned params: 26 embedding tables (same shape -> stacked), linear W/b
    tables = jax.random.normal(k3, (N_FIELDS, VOCAB, EMB), dtype=jnp.float32) * 0.02
    W = jax.random.normal(k4, (N_CLS, INPUT_DIM), dtype=jnp.float32) * 0.02
    b = jnp.zeros((N_CLS,), dtype=jnp.float32)
    return {"x_categorical": x_categorical, "x_continuous": x_continuous,
            "tables": tables, "W": W, "b": b}


def reference(x_categorical, x_continuous, tables, W, b):
    # per-field embedding lookup: tables[i][x_categorical[i]] -> [F, B, E]
    emb = jax.vmap(lambda t, idx: jnp.take(t, idx, axis=0))(tables, x_categorical)
    # torch.cat([...], dim=1) over fields -> [B, F*E]
    emb = jnp.transpose(emb, (1, 0, 2)).reshape(B, N_FIELDS * EMB)
    # dropout frac = 0.0 -> identity (eval mode)
    input_vector = jnp.concatenate([emb, x_continuous], axis=1)
    output_vector = input_vector @ W.T + b
    return output_vector

if __name__ == "__main__":
    import jax
    _d = setup_inputs()
    print(jax.jit(kernel)(*tuple(_d.values())))

</pallas_src>

<mosaic_0001>
#map = affine_map<(d0, d1) -> (0, 0, 0)>
#map1 = affine_map<(d0, d1) -> (0, 0)>
module attributes {stable_mosaic.version = 14 : i64} {
  func.func @k(%arg0: i32, %arg1: i32, %arg2: memref<26x100000x16xf32, #tpu.memory_space<hbm>>, %arg3: memref<26x16384xi32, #tpu.memory_space<hbm>>, %arg4: memref<53248x128xf32, #tpu.memory_space<hbm>>, %arg5: memref<13312xi32, #tpu.memory_space<vmem>>, %arg6: memref<512x16xf32, #tpu.memory_space<vmem>>, %arg7: memref<512x16xf32, #tpu.memory_space<vmem>>, %arg8: memref<64x128xf32, #tpu.memory_space<vmem>>, %arg9: memref<64x128xf32, #tpu.memory_space<vmem>>, %arg10: memref<!tpu.dma_semaphore, #tpu.memory_space<semaphore_mem>>, %arg11: memref<!tpu.dma_semaphore, #tpu.memory_space<semaphore_mem>>, %arg12: memref<!tpu.dma_semaphore, #tpu.memory_space<semaphore_mem>>, %arg13: memref<!tpu.dma_semaphore, #tpu.memory_space<semaphore_mem>>, %arg14: memref<!tpu.dma_semaphore, #tpu.memory_space<semaphore_mem>>) attributes {dimension_semantics = [#tpu.dimension_semantics<core_parallel>, #tpu.dimension_semantics<subcore_parallel>], iteration_bounds = array<i64: 2, 16>, scalar_prefetch = 0 : i64, scratch_operands = 10 : i64, tpu.core_type = #tpu.core_type<sc_vector_subcore>, window_params = [{transform_indices = #map}, {transform_indices = #map1}, {transform_indices = #map1}]} {
    %mul3A = arith.constant 2 : i32
    %mul3A_0 = arith.muli %arg1, %mul3A : i32
    %add3A = arith.addi %mul3A_0, %arg0 : i32
    %mul3A_1 = arith.constant 512 : i32
    %mul3A_2 = arith.muli %add3A, %mul3A_1 : i32
    %dma_start3A = arith.constant 0 : i32
    %dma_start3A_3 = arith.constant 0 : i32
    %dma_start3A_4 = tpu.memref_slice %arg5[%dma_start3A_3] : memref<13312xi32, #tpu.memory_space<vmem>> -> memref<512xi32, #tpu.memory_space<vmem>>
    %dma_start3A_5 = tpu.memref_slice %arg3[%dma_start3A, %mul3A_2] : memref<26x16384xi32, #tpu.memory_space<hbm>> -> memref<1x512xi32, #tpu.memory_space<hbm>>
    %dma_start3A_6 = tpu.memref_squeeze %dma_start3A_5 : memref<1x512xi32, #tpu.memory_space<hbm>> -> memref<512xi32, #tpu.memory_space<hbm>>
    %dma_start3A_7 = arith.constant 0 : i32
    %dma_start3A_8 = tpu.memref_slice %arg5[%dma_start3A_7] : memref<13312xi32, #tpu.memory_space<vmem>> -> memref<512xi32, #tpu.memory_space<vmem>>
    %dma_start3A_9 = tpu.memref_slice %arg3[%dma_start3A, %mul3A_2] : memref<26x16384xi32, #tpu.memory_space<hbm>> -> memref<1x512xi32, #tpu.memory_space<hbm>>
    %dma_start3A_10 = tpu.memref_squeeze %dma_start3A_9 : memref<1x512xi32, #tpu.memory_space<hbm>> -> memref<512xi32, #tpu.memory_space<hbm>>
    tpu.enqueue_dma source(%dma_start3A_10 : memref<512xi32, #tpu.memory_space<hbm>>) target(%dma_start3A_8 : memref<512xi32, #tpu.memory_space<vmem>>) target_semaphore(%arg10 : memref<!tpu.dma_semaphore, #tpu.memory_space<semaphore_mem>>)
    %dma_start3A_11 = arith.constant 1 : i32
    %dma_start3A_12 = arith.constant 512 : i32
    %dma_start3A_13 = tpu.memref_slice %arg5[%dma_start3A_12] : memref<13312xi32, #tpu.memory_space<vmem>> -> memref<512xi32, #tpu.memory_space<vmem>>
    %dma_start3A_14 = tpu.memref_slice %arg3[%dma_start3A_11, %mul3A_2] : memref<26x16384xi32, #tpu.memory_space<hbm>> -> memref<1x512xi32, #tpu.memory_space<hbm>>
    %dma_start3A_15 = tpu.memref_squeeze %dma_start3A_14 : memref<1x512xi32, #tpu.memory_space<hbm>> -> memref<512xi32, #tpu.memory_space<hbm>>
    %dma_start3A_16 = arith.constant 512 : i32
    %dma_start3A_17 = tpu.memref_slice %arg5[%dma_start3A_16] : memref<13312xi32, #tpu.memory_space<vmem>> -> memref<512xi32, #tpu.memory_space<vmem>>
    %dma_start3A_18 = tpu.memref_slice %arg3[%dma_start3A_11, %mul3A_2] : memref<26x16384xi32, #tpu.memory_space<hbm>> -> memref<1x512xi32, #tpu.memory_space<hbm>>
    %dma_start3A_19 = tpu.memref_squeeze %dma_start3A_18 : memref<1x512xi32, #tpu.memory_space<hbm>> -> memref<512xi32, #tpu.memory_space<hbm>>
    tpu.enqueue_dma source(%dma_start3A_19 : memref<512xi32, #tpu.memory_space<hbm>>) target(%dma_start3A_17 : memref<512xi32, #tpu.memory_space<vmem>>) target_semaphore(%arg10 : memref<!tpu.dma_semaphore, #tpu.memory_space<semaphore_mem>>)
    %dma_start3A_20 = arith.constant 2 : i32
    %dma_start3A_21 = arith.constant 1024 : i32
    %dma_start3A_22 = tpu.memref_slice %arg5[%dma_start3A_21] : memref<13312xi32, #tpu.memory_space<vmem>> -> memref<512xi32, #tpu.memory_space<vmem>>
    %dma_start3A_23 = tpu.memref_slice %arg3[%dma_start3A_20, %mul3A_2] : memref<26x16384xi32, #tpu.memory_space<hbm>> -> memref<1x512xi32, #tpu.memory_space<hbm>>
    %dma_start3A_24 = tpu.memref_squeeze %dma_start3A_23 : memref<1x512xi32, #tpu.memory_space<hbm>> -> memref<512xi32, #tpu.memory_space<hbm>>
    %dma_start3A_25 = arith.constant 1024 : i32
    %dma_start3A_26 = tpu.memref_slice %arg5[%dma_start3A_25] : memref<13312xi32, #tpu.memory_space<vmem>> -> memref<512xi32, #tpu.memory_space<vmem>>
    %dma_start3A_27 = tpu.memref_slice %arg3[%dma_start3A_20, %mul3A_2] : memref<26x16384xi32, #tpu.memory_space<hbm>> -> memref<1x512xi32, #tpu.memory_space<hbm>>
    %dma_start3A_28 = tpu.memref_squeeze %dma_start3A_27 : memref<1x512xi32, #tpu.memory_space<hbm>> -> memref<512xi32, #tpu.memory_space<hbm>>
    tpu.enqueue_dma source(%dma_start3A_28 : memref<512xi32, #tpu.memory_space<hbm>>) target(%dma_start3A_26 : memref<512xi32, #tpu.memory_space<vmem>>) target_semaphore(%arg10 : memref<!tpu.dma_semaphore, #tpu.memory_space<semaphore_mem>>)
    %dma_start3A_29 = arith.constant 3 : i32
    %dma_start3A_30 = arith.constant 1536 : i32
    %dma_start3A_31 = tpu.memref_slice %arg5[%dma_start3A_30] : memref<13312xi32, #tpu.memory_space<vmem>> -> memref<512xi32, #tpu.memory_space<vmem>>
    %dma_start3A_32 = tpu.memref_slice %arg3[%dma_start3A_29, %mul3A_2] : memref<26x16384xi32, #tpu.memory_space<hbm>> -> memref<1x512xi32, #tpu.memory_space<hbm>>
    %dma_start3A_33 = tpu.memref_squeeze %dma_start3A_32 : memref<1x512xi32, #tpu.memory_space<hbm>> -> memref<512xi32, #tpu.memory_space<hbm>>
    %dma_start3A_34 = arith.constant 1536 : i32
    %dma_start3A_35 = tpu.memref_slice %arg5[%dma_start3A_34] : memref<13312xi32, #tpu.memory_space<vmem>> -> memref<512xi32, #tpu.memory_space<vmem>>
    %dma_start3A_36 = tpu.memref_slice %arg3[%dma_start3A_29, %mul3A_2] : memref<26x16384xi32, #tpu.memory_space<hbm>> -> memref<1x512xi32, #tpu.memory_space<hbm>>
    %dma_start3A_37 = tpu.memref_squeeze %dma_start3A_36 : memref<1x512xi32, #tpu.memory_space<hbm>> -> memref<512xi32, #tpu.memory_space<hbm>>
    tpu.enqueue_dma source(%dma_start3A_37 : memref<512xi32, #tpu.memory_space<hbm>>) target(%dma_start3A_35 : memref<512xi32, #tpu.memory_space<vmem>>) target_semaphore(%arg10 : memref<!tpu.dma_semaphore, #tpu.memory_space<semaphore_mem>>)
    %dma_start3A_38 = arith.constant 4 : i32
    %dma_start3A_39 = arith.constant 2048 : i32
    %dma_start3A_40 = tpu.memref_slice %arg5[%dma_start3A_39] : memref<13312xi32, #tpu.memory_space<vmem>> -> memref<512xi32, #tpu.memory_space<vmem>>
    %dma_start3A_41 = tpu.memref_slice %arg3[%dma_start3A_38, %mul3A_2] : memref<26x16384xi32, #tpu.memory_space<hbm>> -> memref<1x512xi32, #tpu.memory_space<hbm>>
    %dma_start3A_42 = tpu.memref_squeeze %dma_start3A_41 : memref<1x512xi32, #tpu.memory_space<hbm>> -> memref<512xi32, #tpu.memory_space<hbm>>
    %dma_start3A_43 = arith.constant 2048 : i32
    %dma_start3A_44 = tpu.memref_slice %arg5[%dma_start3A_43] : memref<13312xi32, #tpu.memory_space<vmem>> -> memref<512xi32, #tpu.memory_space<vmem>>
    %dma_start3A_45 = tpu.memref_slice %arg3[%dma_start3A_38, %mul3A_2] : memref<26x16384xi32, #tpu.memory_space<hbm>> -> memref<1x512xi32, #tpu.memory_space<hbm>>
    %dma_start3A_46 = tpu.memref_squeeze %dma_start3A_45 : memref<1x512xi32, #tpu.memory_space<hbm>> -> memref<512xi32, #tpu.memory_space<hbm>>
    tpu.enqueue_dma source(%dma_start3A_46 : memref<512xi32, #tpu.memory_space<hbm>>) target(%dma_start3A_44 : memref<512xi32, #tpu.memory_space<vmem>>) target_semaphore(%arg10 : memref<!tpu.dma_semaphore, #tpu.memory_space<semaphore_mem>>)
    %dma_start3A_47 = arith.constant 5 : i32
    %dma_start3A_48 = arith.constant 2560 : i32
    %dma_start3A_49 = tpu.memref_slice %arg5[%dma_start3A_48] : memref<13312xi32, #tpu.memory_space<vmem>> -> memref<512xi32, #tpu.memory_space<vmem>>
    %dma_start3A_50 = tpu.memref_slice %arg3[%dma_start3A_47, %mul3A_2] : memref<26x16384xi32, #tpu.memory_space<hbm>> -> memref<1x512xi32, #tpu.memory_space<hbm>>
    %dma_start3A_51 = tpu.memref_squeeze %dma_start3A_50 : memref<1x512xi32, #tpu.memory_space<hbm>> -> memref<512xi32, #tpu.memory_space<hbm>>
    %dma_start3A_52 = arith.constant 2560 : i32
    %dma_start3A_53 = tpu.memref_slice %arg5[%dma_start3A_52] : memref<13312xi32, #tpu.memory_space<vmem>> -> memref<512xi32, #tpu.memory_space<vmem>>
    %dma_start3A_54 = tpu.memref_slice %arg3[%dma_start3A_47, %mul3A_2] : memref<26x16384xi32, #tpu.memory_space<hbm>> -> memref<1x512xi32, #tpu.memory_space<hbm>>
    %dma_start3A_55 = tpu.memref_squeeze %dma_start3A_54 : memref<1x512xi32, #tpu.memory_space<hbm>> -> memref<512xi32, #tpu.memory_space<hbm>>
    tpu.enqueue_dma source(%dma_start3A_55 : memref<512xi32, #tpu.memory_space<hbm>>) target(%dma_start3A_53 : memref<512xi32, #tpu.memory_space<vmem>>) target_semaphore(%arg10 : memref<!tpu.dma_semaphore, #tpu.memory_space<semaphore_mem>>)
    %dma_start3A_56 = arith.constant 6 : i32
    %dma_start3A_57 = arith.constant 3072 : i32
    %dma_start3A_58 = tpu.memref_slice %arg5[%dma_start3A_57] : memref<13312xi32, #tpu.memory_space<vmem>> -> memref<512xi32, #tpu.memory_space<vmem>>
    %dma_start3A_59 = tpu.memref_slice %arg3[%dma_start3A_56, %mul3A_2] : memref<26x16384xi32, #tpu.memory_space<hbm>> -> memref<1x512xi32, #tpu.memory_space<hbm>>
    %dma_start3A_60 = tpu.memref_squeeze %dma_start3A_59 : memref<1x512xi32, #tpu.memory_space<hbm>> -> memref<512xi32, #tpu.memory_space<hbm>>
    %dma_start3A_61 = arith.constant 3072 : i32
    %dma_start3A_62 = tpu.memref_slice %arg5[%dma_start3A_61] : memref<13312xi32, #tpu.memory_space<vmem>> -> memref<512xi32, #tpu.memory_space<vmem>>
    %dma_start3A_63 = tpu.memref_slice %arg3[%dma_start3A_56, %mul3A_2] : memref<26x16384xi32, #tpu.memory_space<hbm>> -> memref<1x512xi32, #tpu.memory_space<hbm>>
    %dma_start3A_64 = tpu.memref_squeeze %dma_start3A_63 : memref<1x512xi32, #tpu.memory_space<hbm>> -> memref<512xi32, #tpu.memory_space<hbm>>
    tpu.enqueue_dma source(%dma_start3A_64 : memref<512xi32, #tpu.memory_space<hbm>>) target(%dma_start3A_62 : memref<512xi32, #tpu.memory_space<vmem>>) target_semaphore(%arg10 : memref<!tpu.dma_semaphore, #tpu.memory_space<semaphore_mem>>)
    %dma_start3A_65 = arith.constant 7 : i32
    %dma_start3A_66 = arith.constant 3584 : i32
    %dma_start3A_67 = tpu.memref_slice %arg5[%dma_start3A_66] : memref<13312xi32, #tpu.memory_space<vmem>> -> memref<512xi32, #tpu.memory_space<vmem>>
    %dma_start3A_68 = tpu.memref_slice %arg3[%dma_start3A_65, %mul3A_2] : memref<26x16384xi32, #tpu.memory_space<hbm>> -> memref<1x512xi32, #tpu.memory_space<hbm>>
    %dma_start3A_69 = tpu.memref_squeeze %dma_start3A_68 : memref<1x512xi32, #tpu.memory_space<hbm>> -> memref<512xi32, #tpu.memory_space<hbm>>
    %dma_start3A_70 = arith.constant 3584 : i32
    %dma_start3A_71 = tpu.memref_slice %arg5[%dma_start3A_70] : memref<13312xi32, #tpu.memory_space<vmem>> -> memref<512xi32, #tpu.memory_space<vmem>>
    %dma_start3A_72 = tpu.memref_slice %arg3[%dma_start3A_65, %mul3A_2] : memref<26x16384xi32, #tpu.memory_space<hbm>> -> memref<1x512xi32, #tpu.memory_space<hbm>>
    %dma_start3A_73 = tpu.memref_squeeze %dma_start3A_72 : memref<1x512xi32, #tpu.memory_space<hbm>> -> memref<512xi32, #tpu.memory_space<hbm>>
    tpu.enqueue_dma source(%dma_start3A_73 : memref<512xi32, #tpu.memory_space<hbm>>) target(%dma_start3A_71 : memref<512xi32, #tpu.memory_space<vmem>>) target_semaphore(%arg10 : memref<!tpu.dma_semaphore, #tpu.memory_space<semaphore_mem>>)
    %dma_start3A_74 = arith.constant 8 : i32
    %dma_start3A_75 = arith.constant 4096 : i32
    %dma_start3A_76 = tpu.memref_slice %arg5[%dma_start3A_75] : memref<13312xi32, #tpu.memory_space<vmem>> -> memref<512xi32, #tpu.memory_space<vmem>>
    %dma_start3A_77 = tpu.memref_slice %arg3[%dma_start3A_74, %mul3A_2] : memref<26x16384xi32, #tpu.memory_space<hbm>> -> memref<1x512xi32, #tpu.memory_space<hbm>>
    %dma_start3A_78 = tpu.memref_squeeze %dma_start3A_77 : memref<1x512xi32, #tpu.memory_space<hbm>> -> memref<512xi32, #tpu.memory_space<hbm>>
    %dma_start3A_79 = arith.constant 4096 : i32
    %dma_start3A_80 = tpu.memref_slice %arg5[%dma_start3A_79] : memref<13312xi32, #tpu.memory_space<vmem>> -> memref<512xi32, #tpu.memory_space<vmem>>
    %dma_start3A_81 = tpu.memref_slice %arg3[%dma_start3A_74, %mul3A_2] : memref<26x16384xi32, #tpu.memory_space<hbm>> -> memref<1x512xi32, #tpu.memory_space<hbm>>
    %dma_start3A_82 = tpu.memref_squeeze %dma_start3A_81 : memref<1x512xi32, #tpu.memory_space<hbm>> -> memref<512xi32, #tpu.memory_space<hbm>>
    tpu.enqueue_dma source(%dma_start3A_82 : memref<512xi32, #tpu.memory_space<hbm>>) target(%dma_start3A_80 : memref<512xi32, #tpu.memory_space<vmem>>) target_semaphore(%arg10 : memref<!tpu.dma_semaphore, #tpu.memory_space<semaphore_mem>>)
    %dma_start3A_83 = arith.constant 9 : i32
    %dma_start3A_84 = arith.constant 4608 : i32
    %dma_start3A_85 = tpu.memref_slice %arg5[%dma_start3A_84] : memref<13312xi32, #tpu.memory_space<vmem>> -> memref<512xi32, #tpu.memory_space<vmem>>
    %dma_start3A_86 = tpu.memref_slice %arg3[%dma_start3A_83, %mul3A_2] : memref<26x16384xi32, #tpu.memory_space<hbm>> -> memref<1x512xi32, #tpu.memory_space<hbm>>
    %dma_start3A_87 = tpu.memref_squeeze %dma_start3A_86 : memref<1x512xi32, #tpu.memory_space<hbm>> -> memref<512xi32, #tpu.memory_space<hbm>>
    %dma_start3A_88 = arith.constant 4608 : i32
    %dma_start3A_89 = tpu.memref_slice %arg5[%dma_start3A_88] : memref<13312xi32, #tpu.memory_space<vmem>> -> memref<512xi32, #tpu.memory_space<vmem>>
    %dma_start3A_90 = tpu.memref_slice %arg3[%dma_start3A_83, %mul3A_2] : memref<26x16384xi32, #tpu.memory_space<hbm>> -> memref<1x512xi32, #tpu.memory_space<hbm>>
    %dma_start3A_91 = tpu.memref_squeeze %dma_start3A_90 : memref<1x512xi32, #tpu.memory_space<hbm>> -> memref<512xi32, #tpu.memory_space<hbm>>
    tpu.enqueue_dma source(%dma_start3A_91 : memref<512xi32, #tpu.memory_space<hbm>>) target(%dma_start3A_89 : memref<512xi32, #tpu.memory_space<vmem>>) target_semaphore(%arg10 : memref<!tpu.dma_semaphore, #tpu.memory_space<semaphore_mem>>)
    %dma_start3A_92 = arith.constant 10 : i32
    %dma_start3A_93 = arith.constant 5120 : i32
    %dma_start3A_94 = tpu.memref_slice %arg5[%dma_start3A_93] : memref<13312xi32, #tpu.memory_space<vmem>> -> memref<512xi32, #tpu.memory_space<vmem>>
    %dma_start3A_95 = tpu.memref_slice %arg3[%dma_start3A_92, %mul3A_2] : memref<26x16384xi32, #tpu.memory_space<hbm>> -> memref<1x512xi32, #tpu.memory_space<hbm>>
    %dma_start3A_96 = tpu.memref_squeeze %dma_start3A_95 : memref<1x512xi32, #tpu.memory_space<hbm>> -> memref<512xi32, #tpu.memory_space<hbm>>
    %dma_start3A_97 = arith.constant 5120 : i32
    %dma_start3A_98 = tpu.memref_slice %arg5[%dma_start3A_97] : memref<13312xi32, #tpu.memory_space<vmem>> -> memref<512xi32, #tpu.memory_space<vmem>>
    %dma_start3A_99 = tpu.memref_slice %arg3[%dma_start3A_92, %mul3A_2] : memref<26x16384xi32, #tpu.memory_space<hbm>> -> memref<1x512xi32, #tpu.memory_space<hbm>>
    %dma_start3A_100 = tpu.memref_squeeze %dma_start3A_99 : memref<1x512xi32, #tpu.memory_space<hbm>> -> memref<512xi32, #tpu.memory_space<hbm>>
    tpu.enqueue_dma source(%dma_start3A_100 : memref<512xi32, #tpu.memory_space<hbm>>) target(%dma_start3A_98 : memref<512xi32, #tpu.memory_space<vmem>>) target_semaphore(%arg10 : memref<!tpu.dma_semaphore, #tpu.memory_space<semaphore_mem>>)
    %dma_start3A_101 = arith.constant 11 : i32
    %dma_start3A_102 = arith.constant 5632 : i32
    %dma_start3A_103 = tpu.memref_slice %arg5[%dma_start3A_102] : memref<13312xi32, #tpu.memory_space<vmem>> -> memref<512xi32, #tpu.memory_space<vmem>>
    %dma_start3A_104 = tpu.memref_slice %arg3[%dma_start3A_101, %mul3A_2] : memref<26x16384xi32, #tpu.memory_space<hbm>> -> memref<1x512xi32, #tpu.memory_space<hbm>>
    %dma_start3A_105 = tpu.memref_squeeze %dma_start3A_104 : memref<1x512xi32, #tpu.memory_space<hbm>> -> memref<512xi32, #tpu.memory_space<hbm>>
    %dma_start3A_106 = arith.constant 5632 : i32
    %dma_start3A_107 = tpu.memref_slice %arg5[%dma_start3A_106] : memref<13312xi32, #tpu.memory_space<vmem>> -> memref<512xi32, #tpu.memory_space<vmem>>
    %dma_start3A_108 = tpu.memref_slice %arg3[%dma_start3A_101, %mul3A_2] : memref<26x16384xi32, #tpu.memory_space<hbm>> -> memref<1x512xi32, #tpu.memory_space<hbm>>
    %dma_start3A_109 = tpu.memref_squeeze %dma_start3A_108 : memref<1x512xi32, #tpu.memory_space<hbm>> -> memref<512xi32, #tpu.memory_space<hbm>>
    tpu.enqueue_dma source(%dma_start3A_109 : memref<512xi32, #tpu.memory_space<hbm>>) target(%dma_start3A_107 : memref<512xi32, #tpu.memory_space<vmem>>) target_semaphore(%arg10 : memref<!tpu.dma_semaphore, #tpu.memory_space<semaphore_mem>>)
    %dma_start3A_110 = arith.constant 12 : i32
    %dma_start3A_111 = arith.constant 6144 : i32
    %dma_start3A_112 = tpu.memref_slice %arg5[%dma_start3A_111] : memref<13312xi32, #tpu.memory_space<vmem>> -> memref<512xi32, #tpu.memory_space<vmem>>
    %dma_start3A_113 = tpu.memref_slice %arg3[%dma_start3A_110, %mul3A_2] : memref<26x16384xi32, #tpu.memory_space<hbm>> -> memref<1x512xi32, #tpu.memory_space<hbm>>
    %dma_start3A_114 = tpu.memref_squeeze %dma_start3A_113 : memref<1x512xi32, #tpu.memory_space<hbm>> -> memref<512xi32, #tpu.memory_space<hbm>>
    %dma_start3A_115 = arith.constant 6144 : i32
    %dma_start3A_116 = tpu.memref_slice %arg5[%dma_start3A_115] : memref<13312xi32, #tpu.memory_space<vmem>> -> memref<512xi32, #tpu.memory_space<vmem>>
    %dma_start3A_117 = tpu.memref_slice %arg3[%dma_start3A_110, %mul3A_2] : memref<26x16384xi32, #tpu.memory_space<hbm>> -> memref<1x512xi32, #tpu.memory_space<hbm>>
    %dma_start3A_118 = tpu.memref_squeeze %dma_start3A_117 : memref<1x512xi32, #tpu.memory_space<hbm>> -> memref<512xi32, #tpu.memory_space<hbm>>
    tpu.enqueue_dma source(%dma_start3A_118 : memref<512xi32, #tpu.memory_space<hbm>>) target(%dma_start3A_116 : memref<512xi32, #tpu.memory_space<vmem>>) target_semaphore(%arg10 : memref<!tpu.dma_semaphore, #tpu.memory_space<semaphore_mem>>)
    %dma_start3A_119 = arith.constant 13 : i32
    %dma_start3A_120 = arith.constant 6656 : i32
    %dma_start3A_121 = tpu.memref_slice %arg5[%dma_start3A_120] : memref<13312xi32, #tpu.memory_space<vmem>> -> memref<512xi32, #tpu.memory_space<vmem>>
    %dma_start3A_122 = tpu.memref_slice %arg3[%dma_start3A_119, %mul3A_2] : memref<26x16384xi32, #tpu.memory_space<hbm>> -> memref<1x512xi32, #tpu.memory_space<hbm>>
    %dma_start3A_123 = tpu.memref_squeeze %dma_start3A_122 : memref<1x512xi32, #tpu.memory_space<hbm>> -> memref<512xi32, #tpu.memory_space<hbm>>
    %dma_start3A_124 = arith.constant 6656 : i32
    %dma_start3A_125 = tpu.memref_slice %arg5[%dma_start3A_124] : memref<13312xi32, #tpu.memory_space<vmem>> -> memref<512xi32, #tpu.memory_space<vmem>>
    %dma_start3A_126 = tpu.memref_slice %arg3[%dma_start3A_119, %mul3A_2] : memref<26x16384xi32, #tpu.memory_space<hbm>> -> memref<1x512xi32, #tpu.memory_space<hbm>>
    %dma_start3A_127 = tpu.memref_squeeze %dma_start3A_126 : memref<1x512xi32, #tpu.memory_space<hbm>> -> memref<512xi32, #tpu.memory_space<hbm>>
    tpu.enqueue_dma source(%dma_start3A_127 : memref<512xi32, #tpu.memory_space<hbm>>) target(%dma_start3A_125 : memref<512xi32, #tpu.memory_space<vmem>>) target_semaphore(%arg10 : memref<!tpu.dma_semaphore, #tpu.memory_space<semaphore_mem>>)
    %dma_start3A_128 = arith.constant 14 : i32
    %dma_start3A_129 = arith.constant 7168 : i32
    %dma_start3A_130 = tpu.memref_slice %arg5[%dma_start3A_129] : memref<13312xi32, #tpu.memory_space<vmem>> -> memref<512xi32, #tpu.memory_space<vmem>>
    %dma_start3A_131 = tpu.memref_slice %arg3[%dma_start3A_128, %mul3A_2] : memref<26x16384xi32, #tpu.memory_space<hbm>> -> memref<1x512xi32, #tpu.memory_space<hbm>>
    %dma_start3A_132 = tpu.memref_squeeze %dma_start3A_131 : memref<1x512xi32, #tpu.memory_space<hbm>> -> memref<512xi32, #tpu.memory_space<hbm>>
    %dma_start3A_133 = arith.constant 7168 : i32
    %dma_start3A_134 = tpu.memref_slice %arg5[%dma_start3A_133] : memref<13312xi32, #tpu.memory_space<vmem>> -> memref<512xi32, #tpu.memory_space<vmem>>
    %dma_start3A_135 = tpu.memref_slice %arg3[%dma_start3A_128, %mul3A_2] : memref<26x16384xi32, #tpu.memory_space<hbm>> -> memref<1x512xi32, #tpu.memory_space<hbm>>
    %dma_start3A_136 = tpu.memref_squeeze %dma_start3A_135 : memref<1x512xi32, #tpu.memory_space<hbm>> -> memref<512xi32, #tpu.memory_space<hbm>>
    tpu.enqueue_dma source(%dma_start3A_136 : memref<512xi32, #tpu.memory_space<hbm>>) target(%dma_start3A_134 : memref<512xi32, #tpu.memory_space<vmem>>) target_semaphore(%arg10 : memref<!tpu.dma_semaphore, #tpu.memory_space<semaphore_mem>>)
    %dma_start3A_137 = arith.constant 15 : i32
    %dma_start3A_138 = arith.constant 7680 : i32
    %dma_start3A_139 = tpu.memref_slice %arg5[%dma_start3A_138] : memref<13312xi32, #tpu.memory_space<vmem>> -> memref<512xi32, #tpu.memory_space<vmem>>
    %dma_start3A_140 = tpu.memref_slice %arg3[%dma_start3A_137, %mul3A_2] : memref<26x16384xi32, #tpu.memory_space<hbm>> -> memref<1x512xi32, #tpu.memory_space<hbm>>
    %dma_start3A_141 = tpu.memref_squeeze %dma_start3A_140 : memref<1x512xi32, #tpu.memory_space<hbm>> -> memref<512xi32, #tpu.memory_space<hbm>>
    %dma_start3A_142 = arith.constant 7680 : i32
    %dma_start3A_143 = tpu.memref_slice %arg5[%dma_start3A_142] : memref<13312xi32, #tpu.memory_space<vmem>> -> memref<512xi32, #tpu.memory_space<vmem>>
    %dma_start3A_144 = tpu.memref_slice %arg3[%dma_start3A_137, %mul3A_2] : memref<26x16384xi32, #tpu.memory_space<hbm>> -> memref<1x512xi32, #tpu.memory_space<hbm>>
    %dma_start3A_145 = tpu.memref_squeeze %dma_start3A_144 : memref<1x512xi32, #tpu.memory_space<hbm>> -> memref<512xi32, #tpu.memory_space<hbm>>
    tpu.enqueue_dma source(%dma_start3A_145 : memref<512xi32, #tpu.memory_space<hbm>>) target(%dma_start3A_143 : memref<512xi32, #tpu.memory_space<vmem>>) target_semaphore(%arg10 : memref<!tpu.dma_semaphore, #tpu.memory_space<semaphore_mem>>)
    %dma_start3A_146 = arith.constant 16 : i32
    %dma_start3A_147 = arith.constant 8192 : i32
    %dma_start3A_148 = tpu.memref_slice %arg5[%dma_start3A_147] : memref<13312xi32, #tpu.memory_space<vmem>> -> memref<512xi32, #tpu.memory_space<vmem>>
    %dma_start3A_149 = tpu.memref_slice %arg3[%dma_start3A_146, %mul3A_2] : memref<26x16384xi32, #tpu.memory_space<hbm>> -> memref<1x512xi32, #tpu.memory_space<hbm>>
    %dma_start3A_150 = tpu.memref_squeeze %dma_start3A_149 : memref<1x512xi32, #tpu.memory_space<hbm>> -> memref<512xi32, #tpu.memory_space<hbm>>
    %dma_start3A_151 = arith.constant 8192 : i32
    %dma_start3A_152 = tpu.memref_slice %arg5[%dma_start3A_151] : memref<13312xi32, #tpu.memory_space<vmem>> -> memref<512xi32, #tpu.memory_space<vmem>>
    %dma_start3A_153 = tpu.memref_slice %arg3[%dma_start3A_146, %mul3A_2] : memref<26x16384xi32, #tpu.memory_space<hbm>> -> memref<1x512xi32, #tpu.memory_space<hbm>>
    %dma_start3A_154 = tpu.memref_squeeze %dma_start3A_153 : memref<1x512xi32, #tpu.memory_space<hbm>> -> memref<512xi32, #tpu.memory_space<hbm>>
    tpu.enqueue_dma source(%dma_start3A_154 : memref<512xi32, #tpu.memory_space<hbm>>) target(%dma_start3A_152 : memref<512xi32, #tpu.memory_space<vmem>>) target_semaphore(%arg10 : memref<!tpu.dma_semaphore, #tpu.memory_space<semaphore_mem>>)
    %dma_start3A_155 = arith.constant 17 : i32
    %dma_start3A_156 = arith.constant 8704 : i32
    %dma_start3A_157 = tpu.memref_slice %arg5[%dma_start3A_156] : memref<13312xi32, #tpu.memory_space<vmem>> -> memref<512xi32, #tpu.memory_space<vmem>>
    %dma_start3A_158 = tpu.memref_slice %arg3[%dma_start3A_155, %mul3A_2] : memref<26x16384xi32, #tpu.memory_space<hbm>> -> memref<1x512xi32, #tpu.memory_space<hbm>>
    %dma_start3A_159 = tpu.memref_squeeze %dma_start3A_158 : memref<1x512xi32, #tpu.memory_space<hbm>> -> memref<512xi32, #tpu.memory_space<hbm>>
    %dma_start3A_160 = arith.constant 8704 : i32
    %dma_start3A_161 = tpu.memref_slice %arg5[%dma_start3A_160] : memref<13312xi32, #tpu.memory_space<vmem>> -> memref<512xi32, #tpu.memory_space<vmem>>
    %dma_start3A_162 = tpu.memref_slice %arg3[%dma_start3A_155, %mul3A_2] : memref<26x16384xi32, #tpu.memory_space<hbm>> -> memref<1x512xi32, #tpu.memory_space<hbm>>
    %dma_start3A_163 = tpu.memref_squeeze %dma_start3A_162 : memref<1x512xi32, #tpu.memory_space<hbm>> -> memref<512xi32, #tpu.memory_space<hbm>>
    tpu.enqueue_dma source(%dma_start3A_163 : memref<512xi32, #tpu.memory_space<hbm>>) target(%dma_start3A_161 : memref<512xi32, #tpu.memory_space<vmem>>) target_semaphore(%arg10 : memref<!tpu.dma_semaphore, #tpu.memory_space<semaphore_mem>>)
    %dma_start3A_164 = arith.constant 18 : i32
    %dma_start3A_165 = arith.constant 9216 : i32
    %dma_start3A_166 = tpu.memref_slice %arg5[%dma_start3A_165] : memref<13312xi32, #tpu.memory_space<vmem>> -> memref<512xi32, #tpu.memory_space<vmem>>
    %dma_start3A_167 = tpu.memref_slice %arg3[%dma_start3A_164, %mul3A_2] : memref<26x16384xi32, #tpu.memory_space<hbm>> -> memref<1x512xi32, #tpu.memory_space<hbm>>
    %dma_start3A_168 = tpu.memref_squeeze %dma_start3A_167 : memref<1x512xi32, #tpu.memory_space<hbm>> -> memref<512xi32, #tpu.memory_space<hbm>>
    %dma_start3A_169 = arith.constant 9216 : i32
    %dma_start3A_170 = tpu.memref_slice %arg5[%dma_start3A_169] : memref<13312xi32, #tpu.memory_space<vmem>> -> memref<512xi32, #tpu.memory_space<vmem>>
    %dma_start3A_171 = tpu.memref_slice %arg3[%dma_start3A_164, %mul3A_2] : memref<26x16384xi32, #tpu.memory_space<hbm>> -> memref<1x512xi32, #tpu.memory_space<hbm>>
    %dma_start3A_172 = tpu.memref_squeeze %dma_start3A_171 : memref<1x512xi32, #tpu.memory_space<hbm>> -> memref<512xi32, #tpu.memory_space<hbm>>
    tpu.enqueue_dma source(%dma_start3A_172 : memref<512xi32, #tpu.memory_space<hbm>>) target(%dma_start3A_170 : memref<512xi32, #tpu.memory_space<vmem>>) target_semaphore(%arg10 : memref<!tpu.dma_semaphore, #tpu.memory_space<semaphore_mem>>)
    %dma_start3A_173 = arith.constant 19 : i32
    %dma_start3A_174 = arith.constant 9728 : i32
    %dma_start3A_175 = tpu.memref_slice %arg5[%dma_start3A_174] : memref<13312xi32, #tpu.memory_space<vmem>> -> memref<512xi32, #tpu.memory_space<vmem>>
    %dma_start3A_176 = tpu.memref_slice %arg3[%dma_start3A_173, %mul3A_2] : memref<26x16384xi32, #tpu.memory_space<hbm>> -> memref<1x512xi32, #tpu.memory_space<hbm>>
    %dma_start3A_177 = tpu.memref_squeeze %dma_start3A_176 : memref<1x512xi32, #tpu.memory_space<hbm>> -> memref<512xi32, #tpu.memory_space<hbm>>
    %dma_start3A_178 = arith.constant 9728 : i32
    %dma_start3A_179 = tpu.memref_slice %arg5[%dma_start3A_178] : memref<13312xi32, #tpu.memory_space<vmem>> -> memref<512xi32, #tpu.memory_space<vmem>>
    %dma_start3A_180 = tpu.memref_slice %arg3[%dma_start3A_173, %mul3A_2] : memref<26x16384xi32, #tpu.memory_space<hbm>> -> memref<1x512xi32, #tpu.memory_space<hbm>>
    %dma_start3A_181 = tpu.memref_squeeze %dma_start3A_180 : memref<1x512xi32, #tpu.memory_space<hbm>> -> memref<512xi32, #tpu.memory_space<hbm>>
    tpu.enqueue_dma source(%dma_start3A_181 : memref<512xi32, #tpu.memory_space<hbm>>) target(%dma_start3A_179 : memref<512xi32, #tpu.memory_space<vmem>>) target_semaphore(%arg10 : memref<!tpu.dma_semaphore, #tpu.memory_space<semaphore_mem>>)
    %dma_start3A_182 = arith.constant 20 : i32
    %dma_start3A_183 = arith.constant 10240 : i32
    %dma_start3A_184 = tpu.memref_slice %arg5[%dma_start3A_183] : memref<13312xi32, #tpu.memory_space<vmem>> -> memref<512xi32, #tpu.memory_space<vmem>>
    %dma_start3A_185 = tpu.memref_slice %arg3[%dma_start3A_182, %mul3A_2] : memref<26x16384xi32, #tpu.memory_space<hbm>> -> memref<1x512xi32, #tpu.memory_space<hbm>>
    %dma_start3A_186 = tpu.memref_squeeze %dma_start3A_185 : memref<1x512xi32, #tpu.memory_space<hbm>> -> memref<512xi32, #tpu.memory_space<hbm>>
    %dma_start3A_187 = arith.constant 10240 : i32
    %dma_start3A_188 = tpu.memref_slice %arg5[%dma_start3A_187] : memref<13312xi32, #tpu.memory_space<vmem>> -> memref<512xi32, #tpu.memory_space<vmem>>
    %dma_start3A_189 = tpu.memref_slice %arg3[%dma_start3A_182, %mul3A_2] : memref<26x16384xi32, #tpu.memory_space<hbm>> -> memref<1x512xi32, #tpu.memory_space<hbm>>
    %dma_start3A_190 = tpu.memref_squeeze %dma_start3A_189 : memref<1x512xi32, #tpu.memory_space<hbm>> -> memref<512xi32, #tpu.memory_space<hbm>>
    tpu.enqueue_dma source(%dma_start3A_190 : memref<512xi32, #tpu.memory_space<hbm>>) target(%dma_start3A_188 : memref<512xi32, #tpu.memory_space<vmem>>) target_semaphore(%arg10 : memref<!tpu.dma_semaphore, #tpu.memory_space<semaphore_mem>>)
    %dma_start3A_191 = arith.constant 21 : i32
    %dma_start3A_192 = arith.constant 10752 : i32
    %dma_start3A_193 = tpu.memref_slice %arg5[%dma_start3A_192] : memref<13312xi32, #tpu.memory_space<vmem>> -> memref<512xi32, #tpu.memory_space<vmem>>
    %dma_start3A_194 = tpu.memref_slice %arg3[%dma_start3A_191, %mul3A_2] : memref<26x16384xi32, #tpu.memory_space<hbm>> -> memref<1x512xi32, #tpu.memory_space<hbm>>
    %dma_start3A_195 = tpu.memref_squeeze %dma_start3A_194 : memref<1x512xi32, #tpu.memory_space<hbm>> -> memref<512xi32, #tpu.memory_space<hbm>>
    %dma_start3A_196 = arith.constant 10752 : i32
    %dma_start3A_197 = tpu.memref_slice %arg5[%dma_start3A_196] : memref<13312xi32, #tpu.memory_space<vmem>> -> memref<512xi32, #tpu.memory_space<vmem>>
    %dma_start3A_198 = tpu.memref_slice %arg3[%dma_start3A_191, %mul3A_2] : memref<26x16384xi32, #tpu.memory_space<hbm>> -> memref<1x512xi32, #tpu.memory_space<hbm>>
    %dma_start3A_199 = tpu.memref_squeeze %dma_start3A_198 : memref<1x512xi32, #tpu.memory_space<hbm>> -> memref<512xi32, #tpu.memory_space<hbm>>
    tpu.enqueue_dma source(%dma_start3A_199 : memref<512xi32, #tpu.memory_space<hbm>>) target(%dma_start3A_197 : memref<512xi32, #tpu.memory_space<vmem>>) target_semaphore(%arg10 : memref<!tpu.dma_semaphore, #tpu.memory_space<semaphore_mem>>)
    %dma_start3A_200 = arith.constant 22 : i32
    %dma_start3A_201 = arith.constant 11264 : i32
    %dma_start3A_202 = tpu.memref_slice %arg5[%dma_start3A_201] : memref<13312xi32, #tpu.memory_space<vmem>> -> memref<512xi32, #tpu.memory_space<vmem>>
    %dma_start3A_203 = tpu.memref_slice %arg3[%dma_start3A_200, %mul3A_2] : memref<26x16384xi32, #tpu.memory_space<hbm>> -> memref<1x512xi32, #tpu.memory_space<hbm>>
    %dma_start3A_204 = tpu.memref_squeeze %dma_start3A_203 : memref<1x512xi32, #tpu.memory_space<hbm>> -> memref<512xi32, #tpu.memory_space<hbm>>
    %dma_start3A_205 = arith.constant 11264 : i32
    %dma_start3A_206 = tpu.memref_slice %arg5[%dma_start3A_205] : memref<13312xi32, #tpu.memory_space<vmem>> -> memref<512xi32, #tpu.memory_space<vmem>>
    %dma_start3A_207 = tpu.memref_slice %arg3[%dma_start3A_200, %mul3A_2] : memref<26x16384xi32, #tpu.memory_space<hbm>> -> memref<1x512xi32, #tpu.memory_space<hbm>>
    %dma_start3A_208 = tpu.memref_squeeze %dma_start3A_207 : memref<1x512xi32, #tpu.memory_space<hbm>> -> memref<512xi32, #tpu.memory_space<hbm>>
    tpu.enqueue_dma source(%dma_start3A_208 : memref<512xi32, #tpu.memory_space<hbm>>) target(%dma_start3A_206 : memref<512xi32, #tpu.memory_space<vmem>>) target_semaphore(%arg10 : memref<!tpu.dma_semaphore, #tpu.memory_space<semaphore_mem>>)
    %dma_start3A_209 = arith.constant 23 : i32
    %dma_start3A_210 = arith.constant 11776 : i32
    %dma_start3A_211 = tpu.memref_slice %arg5[%dma_start3A_210] : memref<13312xi32, #tpu.memory_space<vmem>> -> memref<512xi32, #tpu.memory_space<vmem>>
    %dma_start3A_212 = tpu.memref_slice %arg3[%dma_start3A_209, %mul3A_2] : memref<26x16384xi32, #tpu.memory_space<hbm>> -> memref<1x512xi32, #tpu.memory_space<hbm>>
    %dma_start3A_213 = tpu.memref_squeeze %dma_start3A_212 : memref<1x512xi32, #tpu.memory_space<hbm>> -> memref<512xi32, #tpu.memory_space<hbm>>
    %dma_start3A_214 = arith.constant 11776 : i32
    %dma_start3A_215 = tpu.memref_slice %arg5[%dma_start3A_214] : memref<13312xi32, #tpu.memory_space<vmem>> -> memref<512xi32, #tpu.memory_space<vmem>>
    %dma_start3A_216 = tpu.memref_slice %arg3[%dma_start3A_209, %mul3A_2] : memref<26x16384xi32, #tpu.memory_space<hbm>> -> memref<1x512xi32, #tpu.memory_space<hbm>>
    %dma_start3A_217 = tpu.memref_squeeze %dma_start3A_216 : memref<1x512xi32, #tpu.memory_space<hbm>> -> memref<512xi32, #tpu.memory_space<hbm>>
    tpu.enqueue_dma source(%dma_start3A_217 : memref<512xi32, #tpu.memory_space<hbm>>) target(%dma_start3A_215 : memref<512xi32, #tpu.memory_space<vmem>>) target_semaphore(%arg10 : memref<!tpu.dma_semaphore, #tpu.memory_space<semaphore_mem>>)
    %dma_start3A_218 = arith.constant 24 : i32
    %dma_start3A_219 = arith.constant 12288 : i32
    %dma_start3A_220 = tpu.memref_slice %arg5[%dma_start3A_219] : memref<13312xi32, #tpu.memory_space<vmem>> -> memref<512xi32, #tpu.memory_space<vmem>>
    %dma_start3A_221 = tpu.memref_slice %arg3[%dma_start3A_218, %mul3A_2] : memref<26x16384xi32, #tpu.memory_space<hbm>> -> memref<1x512xi32, #tpu.memory_space<hbm>>
    %dma_start3A_222 = tpu.memref_squeeze %dma_start3A_221 : memref<1x512xi32, #tpu.memory_space<hbm>> -> memref<512xi32, #tpu.memory_space<hbm>>
    %dma_start3A_223 = arith.constant 12288 : i32
    %dma_start3A_224 = tpu.memref_slice %arg5[%dma_start3A_223] : memref<13312xi32, #tpu.memory_space<vmem>> -> memref<512xi32, #tpu.memory_space<vmem>>
    %dma_start3A_225 = tpu.memref_slice %arg3[%dma_start3A_218, %mul3A_2] : memref<26x16384xi32, #tpu.memory_space<hbm>> -> memref<1x512xi32, #tpu.memory_space<hbm>>
    %dma_start3A_226 = tpu.memref_squeeze %dma_start3A_225 : memref<1x512xi32, #tpu.memory_space<hbm>> -> memref<512xi32, #tpu.memory_space<hbm>>
    tpu.enqueue_dma source(%dma_start3A_226 : memref<512xi32, #tpu.memory_space<hbm>>) target(%dma_start3A_224 : memref<512xi32, #tpu.memory_space<vmem>>) target_semaphore(%arg10 : memref<!tpu.dma_semaphore, #tpu.memory_space<semaphore_mem>>)
    %dma_start3A_227 = arith.constant 25 : i32
    %dma_start3A_228 = arith.constant 12800 : i32
    %dma_start3A_229 = tpu.memref_slice %arg5[%dma_start3A_228] : memref<13312xi32, #tpu.memory_space<vmem>> -> memref<512xi32, #tpu.memory_space<vmem>>
    %dma_start3A_230 = tpu.memref_slice %arg3[%dma_start3A_227, %mul3A_2] : memref<26x16384xi32, #tpu.memory_space<hbm>> -> memref<1x512xi32, #tpu.memory_space<hbm>>
    %dma_start3A_231 = tpu.memref_squeeze %dma_start3A_230 : memref<1x512xi32, #tpu.memory_space<hbm>> -> memref<512xi32, #tpu.memory_space<hbm>>
    %dma_start3A_232 = arith.constant 12800 : i32
    %dma_start3A_233 = tpu.memref_slice %arg5[%dma_start3A_232] : memref<13312xi32, #tpu.memory_space<vmem>> -> memref<512xi32, #tpu.memory_space<vmem>>
    %dma_start3A_234 = tpu.memref_slice %arg3[%dma_start3A_227, %mul3A_2] : memref<26x16384xi32, #tpu.memory_space<hbm>> -> memref<1x512xi32, #tpu.memory_space<hbm>>
    %dma_start3A_235 = tpu.memref_squeeze %dma_start3A_234 : memref<1x512xi32, #tpu.memory_space<hbm>> -> memref<512xi32, #tpu.memory_space<hbm>>
    tpu.enqueue_dma source(%dma_start3A_235 : memref<512xi32, #tpu.memory_space<hbm>>) target(%dma_start3A_233 : memref<512xi32, #tpu.memory_space<vmem>>) target_semaphore(%arg10 : memref<!tpu.dma_semaphore, #tpu.memory_space<semaphore_mem>>)
    %dma_wait3A = arith.constant 0 : i32
    %dma_wait3A_236 = arith.constant 0 : i32
    %dma_wait3A_237 = tpu.memref_slice %arg3[%dma_wait3A, %dma_wait3A_236] : memref<26x16384xi32, #tpu.memory_space<hbm>> -> memref<1x13312xi32, #tpu.memory_space<hbm>>
    %dma_wait3A_238 = tpu.memref_squeeze %dma_wait3A_237 : memref<1x13312xi32, #tpu.memory_space<hbm>> -> memref<13312xi32, #tpu.memory_space<hbm>>
    %dma_wait3A_239 = arith.constant 0 : i32
    %dma_wait3A_240 = tpu.memref_slice %arg3[%dma_wait3A, %dma_wait3A_239] : memref<26x16384xi32, #tpu.memory_space<hbm>> -> memref<1x13312xi32, #tpu.memory_space<hbm>>
    %dma_wait3A_241 = tpu.memref_squeeze %dma_wait3A_240 : memref<1x13312xi32, #tpu.memory_space<hbm>> -> memref<13312xi32, #tpu.memory_space<hbm>>
    tpu.wait_dma2 semaphore(%arg10 : memref<!tpu.dma_semaphore, #tpu.memory_space<semaphore_mem>>) src(%dma_wait3A_241 : memref<13312xi32, #tpu.memory_space<hbm>>) dst(%arg5 : memref<13312xi32, #tpu.memory_space<vmem>>)
    %dma_start3A_242 = arith.constant 0 : i32
    %dma_start3A_243 = arith.constant 0 : i32
    %dma_start3A_244 = arith.constant 0 : i32
    %dma_start3A_245 = tpu.memref_slice %arg6[%dma_start3A_243, %dma_start3A_244] : memref<512x16xf32, #tpu.memory_space<vmem>> -> memref<128x16xf32, #tpu.memory_space<vmem>>
    %dma_start3A_246 = arith.constant 0 : i32
    %dma_start3A_247 = tpu.memref_slice %arg5[%dma_start3A_246] : memref<13312xi32, #tpu.memory_space<vmem>> -> memref<128xi32, #tpu.memory_space<vmem>>
    %dma_start3A_248 = arith.constant 0 : i32
    %dma_start3A_249 = arith.constant 0 : i32
    %dma_start3A_250 = tpu.memref_slice %arg2[%dma_start3A_242, %dma_start3A_248, %dma_start3A_249] : memref<26x100000x16xf32, #tpu.memory_space<hbm>> -> memref<1x100000x16xf32, #tpu.memory_space<hbm>>
    %dma_start3A_251 = tpu.memref_squeeze %dma_start3A_250 : memref<1x100000x16xf32, #tpu.memory_space<hbm>> -> memref<100000x16xf32, #tpu.memory_space<hbm>>
    %dma_start3A_252 = arith.constant 0 : i32
    %dma_start3A_253 = arith.constant 0 : i32
    %dma_start3A_254 = tpu.memref_slice %dma_start3A_251[%dma_start3A_252, %dma_start3A_253] : memref<100000x16xf32, #tpu.memory_space<hbm>> -> memref<100000x16xf32, #tpu.memory_space<hbm>>
    tpu.enqueue_indirect_dma source(%dma_start3A_254 : memref<100000x16xf32, #tpu.memory_space<hbm>>) target(%dma_start3A_245 : memref<128x16xf32, #tpu.memory_space<vmem>>) offsets(%dma_start3A_247 : memref<128xi32, #tpu.memory_space<vmem>>) semaphore(%arg11 : memref<!tpu.dma_semaphore, #tpu.memory_space<semaphore_mem>>)
    %dma_start3A_255 = arith.constant 0 : i32
    %dma_start3A_256 = arith.constant 128 : i32
    %dma_start3A_257 = arith.constant 0 : i32
    %dma_start3A_258 = tpu.memref_slice %arg6[%dma_start3A_256, %dma_start3A_257] : memref<512x16xf32, #tpu.memory_space<vmem>> -> memref<128x16xf32, #tpu.memory_space<vmem>>
    %dma_start3A_259 = arith.constant 128 : i32
    %dma_start3A_260 = tpu.memref_slice %arg5[%dma_start3A_259] : memref<13312xi32, #tpu.memory_space<vmem>> -> memref<128xi32, #tpu.memory_space<vmem>>
    %dma_start3A_261 = arith.constant 0 : i32
    %dma_start3A_262 = arith.constant 0 : i32
    %dma_start3A_263 = tpu.memref_slice %arg2[%dma_start3A_255, %dma_start3A_261, %dma_start3A_262] : memref<26x100000x16xf32, #tpu.memory_space<hbm>> -> memref<1x100000x16xf32, #tpu.memory_space<hbm>>
    %dma_start3A_264 = tpu.memref_squeeze %dma_start3A_263 : memref<1x100000x16xf32, #tpu.memory_space<hbm>> -> memref<100000x16xf32, #tpu.memory_space<hbm>>
    %dma_start3A_265 = arith.constant 0 : i32
    %dma_start3A_266 = arith.constant 0 : i32
    %dma_start3A_267 = tpu.memref_slice %dma_start3A_264[%dma_start3A_265, %dma_start3A_266] : memref<100000x16xf32, #tpu.memory_space<hbm>> -> memref<100000x16xf32, #tpu.memory_space<hbm>>
    tpu.enqueue_indirect_dma source(%dma_start3A_267 : memref<100000x16xf32, #tpu.memory_space<hbm>>) target(%dma_start3A_258 : memref<128x16xf32, #tpu.memory_space<vmem>>) offsets(%dma_start3A_260 : memref<128xi32, #tpu.memory_space<vmem>>) semaphore(%arg11 : memref<!tpu.dma_semaphore, #tpu.memory_space<semaphore_mem>>)
    %dma_start3A_268 = arith.constant 0 : i32
    %dma_start3A_269 = arith.constant 256 : i32
    %dma_start3A_270 = arith.constant 0 : i32
    %dma_start3A_271 = tpu.memref_slice %arg6[%dma_start3A_269, %dma_start3A_270] : memref<512x16xf32, #tpu.memory_space<vmem>> -> memref<128x16xf32, #tpu.memory_space<vmem>>
    %dma_start3A_272 = arith.constant 256 : i32
    %dma_start3A_273 = tpu.memref_slice %arg5[%dma_start3A_272] : memref<13312xi32, #tpu.memory_space<vmem>> -> memref<128xi32, #tpu.memory_space<vmem>>
    %dma_start3A_274 = arith.constant 0 : i32
    %dma_start3A_275 = arith.constant 0 : i32
    %dma_start3A_276 = tpu.memref_slice %arg2[%dma_start3A_268, %dma_start3A_274, %dma_start3A_275] : memref<26x100000x16xf32, #tpu.memory_space<hbm>> -> memref<1x100000x16xf32, #tpu.memory_space<hbm>>
    %dma_start3A_277 = tpu.memref_squeeze %dma_start3A_276 : memref<1x100000x16xf32, #tpu.memory_space<hbm>> -> memref<100000x16xf32, #tpu.memory_space<hbm>>
    %dma_start3A_278 = arith.constant 0 : i32
    %dma_start3A_279 = arith.constant 0 : i32
    %dma_start3A_280 = tpu.memref_slice %dma_start3A_277[%dma_start3A_278, %dma_start3A_279] : memref<100000x16xf32, #tpu.memory_space<hbm>> -> memref<100000x16xf32, #tpu.memory_space<hbm>>
    tpu.enqueue_indirect_dma source(%dma_start3A_280 : memref<100000x16xf32, #tpu.memory_space<hbm>>) target(%dma_start3A_271 : memref<128x16xf32, #tpu.memory_space<vmem>>) offsets(%dma_start3A_273 : memref<128xi32, #tpu.memory_space<vmem>>) semaphore(%arg11 : memref<!tpu.dma_semaphore, #tpu.memory_space<semaphore_mem>>)
    %dma_start3A_281 = arith.constant 0 : i32
    %dma_start3A_282 = arith.constant 384 : i32
    %dma_start3A_283 = arith.constant 0 : i32
    %dma_start3A_284 = tpu.memref_slice %arg6[%dma_start3A_282, %dma_start3A_283] : memref<512x16xf32, #tpu.memory_space<vmem>> -> memref<128x16xf32, #tpu.memory_space<vmem>>
    %dma_start3A_285 = arith.constant 384 : i32
    %dma_start3A_286 = tpu.memref_slice %arg5[%dma_start3A_285] : memref<13312xi32, #tpu.memory_space<vmem>> -> memref<128xi32, #tpu.memory_space<vmem>>
    %dma_start3A_287 = arith.constant 0 : i32
    %dma_start3A_288 = arith.constant 0 : i32
    %dma_start3A_289 = tpu.memref_slice %arg2[%dma_start3A_281, %dma_start3A_287, %dma_start3A_288] : memref<26x100000x16xf32, #tpu.memory_space<hbm>> -> memref<1x100000x16xf32, #tpu.memory_space<hbm>>
    %dma_start3A_290 = tpu.memref_squeeze %dma_start3A_289 : memref<1x100000x16xf32, #tpu.memory_space<hbm>> -> memref<100000x16xf32, #tpu.memory_space<hbm>>
    %dma_start3A_291 = arith.constant 0 : i32
    %dma_start3A_292 = arith.constant 0 : i32
    %dma_start3A_293 = tpu.memref_slice %dma_start3A_290[%dma_start3A_291, %dma_start3A_292] : memref<100000x16xf32, #tpu.memory_space<hbm>> -> memref<100000x16xf32, #tpu.memory_space<hbm>>
    tpu.enqueue_indirect_dma source(%dma_start3A_293 : memref<100000x16xf32, #tpu.memory_space<hbm>>) target(%dma_start3A_284 : memref<128x16xf32, #tpu.memory_space<vmem>>) offsets(%dma_start3A_286 : memref<128xi32, #tpu.memory_space<vmem>>) semaphore(%arg11 : memref<!tpu.dma_semaphore, #tpu.memory_space<semaphore_mem>>)
    %scan3A = arith.constant 0 : i32
    %scan3A_294 = arith.constant 0 : i32
    %scan3A_295 = arith.constant 13 : i32
    %scan3A_296 = arith.addi %scan3A_294, %scan3A_295 : i32
    %scan3A_297 = arith.constant 1 : i32
    scf.for %scan3A_311 = %scan3A_294 to %scan3A_296 step %scan3A_297  : i32 {
      %mul3A_312 = arith.constant 2 : i32
      %mul3A_313 = arith.muli %mul3A_312, %scan3A_311 : i32
      %gt3A = arith.constant 0 : i32
      %gt3A_314 = arith.cmpi sgt, %scan3A_311, %gt3A : i32
      %convert_element_type3A = arith.extui %gt3A_314 : i1 to i32
      %cond3A = arith.constant 0 : i32
      %cond3A_315 = arith.cmpi ne, %convert_element_type3A, %cond3A : i32
      scf.if %cond3A_315 {
        %dma_wait3A_432 = arith.constant 0 : i32
        %dma_wait3A_433 = arith.constant 0 : i32
        %dma_wait3A_434 = tpu.memref_slice %arg4[%dma_wait3A_432, %dma_wait3A_433] : memref<53248x128xf32, #tpu.memory_space<hbm>> -> memref<64x128xf32, #tpu.memory_space<hbm>>
        %dma_wait3A_435 = arith.constant 0 : i32
        %dma_wait3A_436 = arith.constant 0 : i32
        %dma_wait3A_437 = tpu.memref_slice %arg4[%dma_wait3A_435, %dma_wait3A_436] : memref<53248x128xf32, #tpu.memory_space<hbm>> -> memref<64x128xf32, #tpu.memory_space<hbm>>
        tpu.wait_dma2 semaphore(%arg14 : memref<!tpu.dma_semaphore, #tpu.memory_space<semaphore_mem>>) src(%arg9 : memref<64x128xf32, #tpu.memory_space<vmem>>) dst(%dma_wait3A_437 : memref<64x128xf32, #tpu.memory_space<hbm>>)
      } else {
      }
      %add3A_316 = arith.constant 1 : i32
      %add3A_317 = arith.addi %mul3A_313, %add3A_316 : i32
      %mul3A_318 = arith.constant 512 : i32
      %mul3A_319 = arith.muli %add3A_317, %mul3A_318 : i32
      %add3A_320 = arith.constant 0 : i32
      %add3A_321 = arith.addi %mul3A_319, %add3A_320 : i32
      %dma_start3A_322 = arith.constant 0 : i32
      %dma_start3A_323 = arith.constant 0 : i32
      %dma_start3A_324 = tpu.memref_slice %arg7[%dma_start3A_322, %dma_start3A_323] : memref<512x16xf32, #tpu.memory_space<vmem>> -> memref<128x16xf32, #tpu.memory_space<vmem>>
      %dma_start3A_325 = tpu.memref_slice %arg5[%add3A_321] : memref<13312xi32, #tpu.memory_space<vmem>> -> memref<128xi32, #tpu.memory_space<vmem>>
      %dma_start3A_326 = arith.constant 0 : i32
      %dma_start3A_327 = arith.constant 0 : i32
      %dma_start3A_328 = tpu.memref_slice %arg2[%add3A_317, %dma_start3A_326, %dma_start3A_327] : memref<26x100000x16xf32, #tpu.memory_space<hbm>> -> memref<1x100000x16xf32, #tpu.memory_space<hbm>>
      %dma_start3A_329 = tpu.memref_squeeze %dma_start3A_328 : memref<1x100000x16xf32, #tpu.memory_space<hbm>> -> memref<100000x16xf32, #tpu.memory_space<hbm>>
      %dma_start3A_330 = arith.constant 0 : i32
      %dma_start3A_331 = arith.constant 0 : i32
      %dma_start3A_332 = tpu.memref_slice %dma_start3A_329[%dma_start3A_330, %dma_start3A_331] : memref<100000x16xf32, #tpu.memory_space<hbm>> -> memref<100000x16xf32, #tpu.memory_space<hbm>>
      tpu.enqueue_indirect_dma source(%dma_start3A_332 : memref<100000x16xf32, #tpu.memory_space<hbm>>) target(%dma_start3A_324 : memref<128x16xf32, #tpu.memory_space<vmem>>) offsets(%dma_start3A_325 : memref<128xi32, #tpu.memory_space<vmem>>) semaphore(%arg12 : memref<!tpu.dma_semaphore, #tpu.memory_space<semaphore_mem>>)
      %mul3A_333 = arith.constant 512 : i32
      %mul3A_334 = arith.muli %add3A_317, %mul3A_333 : i32
      %add3A_335 = arith.constant 128 : i32
      %add3A_336 = arith.addi %mul3A_334, %add3A_335 : i32
      %dma_start3A_337 = arith.constant 128 : i32
      %dma_start3A_338 = arith.constant 0 : i32
      %dma_start3A_339 = tpu.memref_slice %arg7[%dma_start3A_337, %dma_start3A_338] : memref<512x16xf32, #tpu.memory_space<vmem>> -> memref<128x16xf32, #tpu.memory_space<vmem>>
      %dma_start3A_340 = tpu.memref_slice %arg5[%add3A_336] : memref<13312xi32, #tpu.memory_space<vmem>> -> memref<128xi32, #tpu.memory_space<vmem>>
      %dma_start3A_341 = arith.constant 0 : i32
      %dma_start3A_342 = arith.constant 0 : i32
      %dma_start3A_343 = tpu.memref_slice %arg2[%add3A_317, %dma_start3A_341, %dma_start3A_342] : memref<26x100000x16xf32, #tpu.memory_space<hbm>> -> memref<1x100000x16xf32, #tpu.memory_space<hbm>>
      %dma_start3A_344 = tpu.memref_squeeze %dma_start3A_343 : memref<1x100000x16xf32, #tpu.memory_space<hbm>> -> memref<100000x16xf32, #tpu.memory_space<hbm>>
      %dma_start3A_345 = arith.constant 0 : i32
      %dma_start3A_346 = arith.constant 0 : i32
      %dma_start3A_347 = tpu.memref_slice %dma_start3A_344[%dma_start3A_345, %dma_start3A_346] : memref<100000x16xf32, #tpu.memory_space<hbm>> -> memref<100000x16xf32, #tpu.memory_space<hbm>>
      tpu.enqueue_indirect_dma source(%dma_start3A_347 : memref<100000x16xf32, #tpu.memory_space<hbm>>) target(%dma_start3A_339 : memref<128x16xf32, #tpu.memory_space<vmem>>) offsets(%dma_start3A_340 : memref<128xi32, #tpu.memory_space<vmem>>) semaphore(%arg12 : memref<!tpu.dma_semaphore, #tpu.memory_space<semaphore_mem>>)
      %mul3A_348 = arith.constant 512 : i32
      %mul3A_349 = arith.muli %add3A_317, %mul3A_348 : i32
      %add3A_350 = arith.constant 256 : i32
      %add3A_351 = arith.addi %mul3A_349, %add3A_350 : i32
      %dma_start3A_352 = arith.constant 256 : i32
      %dma_start3A_353 = arith.constant 0 : i32
      %dma_start3A_354 = tpu.memref_slice %arg7[%dma_start3A_352, %dma_start3A_353] : memref<512x16xf32, #tpu.memory_space<vmem>> -> memref<128x16xf32, #tpu.memory_space<vmem>>
      %dma_start3A_355 = tpu.memref_slice %arg5[%add3A_351] : memref<13312xi32, #tpu.memory_space<vmem>> -> memref<128xi32, #tpu.memory_space<vmem>>
      %dma_start3A_356 = arith.constant 0 : i32
      %dma_start3A_357 = arith.constant 0 : i32
      %dma_start3A_358 = tpu.memref_slice %arg2[%add3A_317, %dma_start3A_356, %dma_start3A_357] : memref<26x100000x16xf32, #tpu.memory_space<hbm>> -> memref<1x100000x16xf32, #tpu.memory_space<hbm>>
      %dma_start3A_359 = tpu.memref_squeeze %dma_start3A_358 : memref<1x100000x16xf32, #tpu.memory_space<hbm>> -> memref<100000x16xf32, #tpu.memory_space<hbm>>
      %dma_start3A_360 = arith.constant 0 : i32
      %dma_start3A_361 = arith.constant 0 : i32
      %dma_start3A_362 = tpu.memref_slice %dma_start3A_359[%dma_start3A_360, %dma_start3A_361] : memref<100000x16xf32, #tpu.memory_space<hbm>> -> memref<100000x16xf32, #tpu.memory_space<hbm>>
      tpu.enqueue_indirect_dma source(%dma_start3A_362 : memref<100000x16xf32, #tpu.memory_space<hbm>>) target(%dma_start3A_354 : memref<128x16xf32, #tpu.memory_space<vmem>>) offsets(%dma_start3A_355 : memref<128xi32, #tpu.memory_space<vmem>>) semaphore(%arg12 : memref<!tpu.dma_semaphore, #tpu.memory_space<semaphore_mem>>)
      %mul3A_363 = arith.constant 512 : i32
      %mul3A_364 = arith.muli %add3A_317, %mul3A_363 : i32
      %add3A_365 = arith.constant 384 : i32
      %add3A_366 = arith.addi %mul3A_364, %add3A_365 : i32
      %dma_start3A_367 = arith.constant 384 : i32
      %dma_start3A_368 = arith.constant 0 : i32
      %dma_start3A_369 = tpu.memref_slice %arg7[%dma_start3A_367, %dma_start3A_368] : memref<512x16xf32, #tpu.memory_space<vmem>> -> memref<128x16xf32, #tpu.memory_space<vmem>>
      %dma_start3A_370 = tpu.memref_slice %arg5[%add3A_366] : memref<13312xi32, #tpu.memory_space<vmem>> -> memref<128xi32, #tpu.memory_space<vmem>>
      %dma_start3A_371 = arith.constant 0 : i32
      %dma_start3A_372 = arith.constant 0 : i32
      %dma_start3A_373 = tpu.memref_slice %arg2[%add3A_317, %dma_start3A_371, %dma_start3A_372] : memref<26x100000x16xf32, #tpu.memory_space<hbm>> -> memref<1x100000x16xf32, #tpu.memory_space<hbm>>
      %dma_start3A_374 = tpu.memref_squeeze %dma_start3A_373 : memref<1x100000x16xf32, #tpu.memory_space<hbm>> -> memref<100000x16xf32, #tpu.memory_space<hbm>>
      %dma_start3A_375 = arith.constant 0 : i32
      %dma_start3A_376 = arith.constant 0 : i32
      %dma_start3A_377 = tpu.memref_slice %dma_start3A_374[%dma_start3A_375, %dma_start3A_376] : memref<100000x16xf32, #tpu.memory_space<hbm>> -> memref<100000x16xf32, #tpu.memory_space<hbm>>
      tpu.enqueue_indirect_dma source(%dma_start3A_377 : memref<100000x16xf32, #tpu.memory_space<hbm>>) target(%dma_start3A_369 : memref<128x16xf32, #tpu.memory_space<vmem>>) offsets(%dma_start3A_370 : memref<128xi32, #tpu.memory_space<vmem>>) semaphore(%arg12 : memref<!tpu.dma_semaphore, #tpu.memory_space<semaphore_mem>>)
      %dma_wait3A_378 = arith.constant 0 : i32
      %dma_wait3A_379 = arith.constant 0 : i32
      %dma_wait3A_380 = arith.constant 0 : i32
      %dma_wait3A_381 = tpu.memref_slice %arg2[%dma_wait3A_378, %dma_wait3A_379, %dma_wait3A_380] : memref<26x100000x16xf32, #tpu.memory_space<hbm>> -> memref<1x512x16xf32, #tpu.memory_space<hbm>>
      %dma_wait3A_382 = tpu.memref_squeeze %dma_wait3A_381 : memref<1x512x16xf32, #tpu.memory_space<hbm>> -> memref<512x16xf32, #tpu.memory_space<hbm>>
      %dma_wait3A_383 = arith.constant 0 : i32
      %dma_wait3A_384 = arith.constant 0 : i32
      %dma_wait3A_385 = tpu.memref_slice %arg2[%dma_wait3A_378, %dma_wait3A_383, %dma_wait3A_384] : memref<26x100000x16xf32, #tpu.memory_space<hbm>> -> memref<1x512x16xf32, #tpu.memory_space<hbm>>
      %dma_wait3A_386 = tpu.memref_squeeze %dma_wait3A_385 : memref<1x512x16xf32, #tpu.memory_space<hbm>> -> memref<512x16xf32, #tpu.memory_space<hbm>>
      tpu.wait_dma2 semaphore(%arg11 : memref<!tpu.dma_semaphore, #tpu.memory_space<semaphore_mem>>) src(%dma_wait3A_386 : memref<512x16xf32, #tpu.memory_space<hbm>>) dst(%arg6 : memref<512x16xf32, #tpu.memory_space<vmem>>)
      %scan3A_387 = arith.constant 0 : i32
      %scan3A_388 = arith.constant 0 : i32
      %scan3A_389 = arith.constant 64 : i32
      %scan3A_390 = arith.addi %scan3A_388, %scan3A_389 : i32
      %scan3A_391 = arith.constant 1 : i32
      scf.for %scan3A_432 = %scan3A_388 to %scan3A_390 step %scan3A_391  : i32 {
        %mul3A_433 = arith.constant 8 : i32
        %mul3A_434 = arith.muli %scan3A_432, %mul3A_433 : i32
        %add3A_435 = arith.constant 0 : i32
        %add3A_436 = arith.addi %mul3A_434, %add3A_435 : i32
        %get3A = arith.index_cast %add3A_436 : i32 to index
        %get3A_437 = arith.constant 0 : index
        %get3A_438 = tpu.vector_load %arg6[%get3A, %get3A_437] {strides = array<i32>} : memref<512x16xf32, #tpu.memory_space<vmem>>, vector<1x16xf32>,
        %get3A_439 = vector.shape_cast %get3A_438 : vector<1x16xf32> to vector<16xf32>
        %swap3A = arith.index_cast %scan3A_432 : i32 to index
        %swap3A_440 = arith.constant 0 : index
        %swap3A_441 = tpu.vector_load %arg8[%swap3A, %swap3A_440] {strides = array<i32>} : memref<64x128xf32, #tpu.memory_space<vmem>>, vector<1x16xf32>,
        %swap3A_442 = vector.shape_cast %swap3A_441 : vector<1x16xf32> to vector<16xf32>
        %swap3A_443 = vector.shape_cast %get3A_439 : vector<16xf32> to vector<1x16xf32>
        tpu.vector_store %arg8[%swap3A, %swap3A_440], %swap3A_443 {strides = array<i32>} : memref<64x128xf32, #tpu.memory_space<vmem>>, vector<1x16xf32>,
        %mul3A_444 = arith.constant 8 : i32
        %mul3A_445 = arith.muli %scan3A_432, %mul3A_444 : i32
        %add3A_446 = arith.constant 1 : i32
        %add3A_447 = arith.addi %mul3A_445, %add3A_446 : i32
        %get3A_448 = arith.index_cast %add3A_447 : i32 to index
        %get3A_449 = arith.constant 0 : index
        %get3A_450 = tpu.vector_load %arg6[%get3A_448, %get3A_449] {strides = array<i32>} : memref<512x16xf32, #tpu.memory_space<vmem>>, vector<1x16xf32>,
        %get3A_451 = vector.shape_cast %get3A_450 : vector<1x16xf32> to vector<16xf32>
        %swap3A_452 = arith.index_cast %scan3A_432 : i32 to index
        %swap3A_453 = arith.constant 16 : index
        %swap3A_454 = tpu.vector_load %arg8[%swap3A_452, %swap3A_453] {strides = array<i32>} : memref<64x128xf32, #tpu.memory_space<vmem>>, vector<1x16xf32>,
        %swap3A_455 = vector.shape_cast %swap3A_454 : vector<1x16xf32> to vector<16xf32>
        %swap3A_456 = vector.shape_cast %get3A_451 : vector<16xf32> to vector<1x16xf32>
        tpu.vector_store %arg8[%swap3A_452, %swap3A_453], %swap3A_456 {strides = array<i32>} : memref<64x128xf32, #tpu.memory_space<vmem>>, vector<1x16xf32>,
        %mul3A_457 = arith.constant 8 : i32
        %mul3A_458 = arith.muli %scan3A_432, %mul3A_457 : i32
        %add3A_459 = arith.constant 2 : i32
        %add3A_460 = arith.addi %mul3A_458, %add3A_459 : i32
        %get3A_461 = arith.index_cast %add3A_460 : i32 to index
        %get3A_462 = arith.constant 0 : index
        %get3A_463 = tpu.vector_load %arg6[%get3A_461, %get3A_462] {strides = array<i32>} : memref<512x16xf32, #tpu.memory_space<vmem>>, vector<1x16xf32>,
        %get3A_464 = vector.shape_cast %get3A_463 : vector<1x16xf32> to vector<16xf32>
        %swap3A_465 = arith.index_cast %scan3A_432 : i32 to index
        %swap3A_466 = arith.constant 32 : index
        %swap3A_467 = tpu.vector_load %arg8[%swap3A_465, %swap3A_466] {strides = array<i32>} : memref<64x128xf32, #tpu.memory_space<vmem>>, vector<1x16xf32>,
        %swap3A_468 = vector.shape_cast %swap3A_467 : vector<1x16xf32> to vector<16xf32>
        %swap3A_469 = vector.shape_cast %get3A_464 : vector<16xf32> to vector<1x16xf32>
        tpu.vector_store %arg8[%swap3A_465, %swap3A_466], %swap3A_469 {strides = array<i32>} : memref<64x128xf32, #tpu.memory_space<vmem>>, vector<1x16xf32>,
        %mul3A_470 = arith.constant 8 : i32
        %mul3A_471 = arith.muli %scan3A_432, %mul3A_470 : i32
        %add3A_472 = arith.constant 3 : i32
        %add3A_473 = arith.addi %mul3A_471, %add3A_472 : i32
        %get3A_474 = arith.index_cast %add3A_473 : i32 to index
        %get3A_475 = arith.constant 0 : index
        %get3A_476 = tpu.vector_load %arg6[%get3A_474, %get3A_475] {strides = array<i32>} : memref<512x16xf32, #tpu.memory_space<vmem>>, vector<1x16xf32>,
        %get3A_477 = vector.shape_cast %get3A_476 : vector<1x16xf32> to vector<16xf32>
        %swap3A_478 = arith.index_cast %scan3A_432 : i32 to index
        %swap3A_479 = arith.constant 48 : index
        %swap3A_480 = tpu.vector_load %arg8[%swap3A_478, %swap3A_479] {strides = array<i32>} : memref<64x128xf32, #tpu.memory_space<vmem>>, vector<1x16xf32>,
        %swap3A_481 = vector.shape_cast %swap3A_480 : vector<1x16xf32> to vector<16xf32>
        %swap3A_482 = vector.shape_cast %get3A_477 : vector<16xf32> to vector<1x16xf32>
        tpu.vector_store %arg8[%swap3A_478, %swap3A_479], %swap3A_482 {strides = array<i32>} : memref<64x128xf32, #tpu.memory_space<vmem>>, vector<1x16xf32>,
        %mul3A_483 = arith.constant 8 : i32
        %mul3A_484 = arith.muli %scan3A_432, %mul3A_483 : i32
        %add3A_485 = arith.constant 4 : i32
        %add3A_486 = arith.addi %mul3A_484, %add3A_485 : i32
        %get3A_487 = arith.index_cast %add3A_486 : i32 to index
        %get3A_488 = arith.constant 0 : index
        %get3A_489 = tpu.vector_load %arg6[%get3A_487, %get3A_488] {strides = array<i32>} : memref<512x16xf32, #tpu.memory_space<vmem>>, vector<1x16xf32>,
        %get3A_490 = vector.shape_cast %get3A_489 : vector<1x16xf32> to vector<16xf32>
        %swap3A_491 = arith.index_cast %scan3A_432 : i32 to index
        %swap3A_492 = arith.constant 64 : index
        %swap3A_493 = tpu.vector_load %arg8[%swap3A_491, %swap3A_492] {strides = array<i32>} : memref<64x128xf32, #tpu.memory_space<vmem>>, vector<1x16xf32>,
        %swap3A_494 = vector.shape_cast %swap3A_493 : vector<1x16xf32> to vector<16xf32>
        %swap3A_495 = vector.shape_cast %get3A_490 : vector<16xf32> to vector<1x16xf32>
        tpu.vector_store %arg8[%swap3A_491, %swap3A_492], %swap3A_495 {strides = array<i32>} : memref<64x128xf32, #tpu.memory_space<vmem>>, vector<1x16xf32>,
        %mul3A_496 = arith.constant 8 : i32
        %mul3A_497 = arith.muli %scan3A_432, %mul3A_496 : i32
        %add3A_498 = arith.constant 5 : i32
        %add3A_499 = arith.addi %mul3A_497, %add3A_498 : i32
        %get3A_500 = arith.index_cast %add3A_499 : i32 to index
        %get3A_501 = arith.constant 0 : index
        %get3A_502 = tpu.vector_load %arg6[%get3A_500, %get3A_501] {strides = array<i32>} : memref<512x16xf32, #tpu.memory_space<vmem>>, vector<1x16xf32>,
        %get3A_503 = vector.shape_cast %get3A_502 : vector<1x16xf32> to vector<16xf32>
        %swap3A_504 = arith.index_cast %scan3A_432 : i32 to index
        %swap3A_505 = arith.constant 80 : index
        %swap3A_506 = tpu.vector_load %arg8[%swap3A_504, %swap3A_505] {strides = array<i32>} : memref<64x128xf32, #tpu.memory_space<vmem>>, vector<1x16xf32>,
        %swap3A_507 = vector.shape_cast %swap3A_506 : vector<1x16xf32> to vector<16xf32>
        %swap3A_508 = vector.shape_cast %get3A_503 : vector<16xf32> to vector<1x16xf32>
        tpu.vector_store %arg8[%swap3A_504, %swap3A_505], %swap3A_508 {strides = array<i32>} : memref<64x128xf32, #tpu.memory_space<vmem>>, vector<1x16xf32>,
        %mul3A_509 = arith.constant 8 : i32
        %mul3A_510 = arith.muli %scan3A_432, %mul3A_509 : i32
        %add3A_511 = arith.constant 6 : i32
        %add3A_512 = arith.addi %mul3A_510, %add3A_511 : i32
        %get3A_513 = arith.index_cast %add3A_512 : i32 to index
        %get3A_514 = arith.constant 0 : index
        %get3A_515 = tpu.vector_load %arg6[%get3A_513, %get3A_514] {strides = array<i32>} : memref<512x16xf32, #tpu.memory_space<vmem>>, vector<1x16xf32>,
        %get3A_516 = vector.shape_cast %get3A_515 : vector<1x16xf32> to vector<16xf32>
        %swap3A_517 = arith.index_cast %scan3A_432 : i32 to index
        %swap3A_518 = arith.constant 96 : index
        %swap3A_519 = tpu.vector_load %arg8[%swap3A_517, %swap3A_518] {strides = array<i32>} : memref<64x128xf32, #tpu.memory_space<vmem>>, vector<1x16xf32>,
        %swap3A_520 = vector.shape_cast %swap3A_519 : vector<1x16xf32> to vector<16xf32>
        %swap3A_521 = vector.shape_cast %get3A_516 : vector<16xf32> to vector<1x16xf32>
        tpu.vector_store %arg8[%swap3A_517, %swap3A_518], %swap3A_521 {strides = array<i32>} : memref<64x128xf32, #tpu.memory_space<vmem>>, vector<1x16xf32>,
        %mul3A_522 = arith.constant 8 : i32
        %mul3A_523 = arith.muli %scan3A_432, %mul3A_522 : i32
        %add3A_524 = arith.constant 7 : i32
        %add3A_525 = arith.addi %mul3A_523, %add3A_524 : i32
        %get3A_526 = arith.index_cast %add3A_525 : i32 to index
        %get3A_527 = arith.constant 0 : index
        %get3A_528 = tpu.vector_load %arg6[%get3A_526, %get3A_527] {strides = array<i32>} : memref<512x16xf32, #tpu.memory_space<vmem>>, vector<1x16xf32>,
        %get3A_529 = vector.shape_cast %get3A_528 : vector<1x16xf32> to vector<16xf32>
        %swap3A_530 = arith.index_cast %scan3A_432 : i32 to index
        %swap3A_531 = arith.constant 112 : index
        %swap3A_532 = tpu.vector_load %arg8[%swap3A_530, %swap3A_531] {strides = array<i32>} : memref<64x128xf32, #tpu.memory_space<vmem>>, vector<1x16xf32>,
        %swap3A_533 = vector.shape_cast %swap3A_532 : vector<1x16xf32> to vector<16xf32>
        %swap3A_534 = vector.shape_cast %get3A_529 : vector<16xf32> to vector<1x16xf32>
        tpu.vector_store %arg8[%swap3A_530, %swap3A_531], %swap3A_534 {strides = array<i32>} : memref<64x128xf32, #tpu.memory_space<vmem>>, vector<1x16xf32>,
      }
      %scan3A_392 = arith.constant 64 : i32
      %mul3A_393 = arith.constant 2048 : i32
      %mul3A_394 = arith.muli %mul3A_313, %mul3A_393 : i32
      %mul3A_395 = arith.constant 64 : i32
      %mul3A_396 = arith.muli %add3A, %mul3A_395 : i32
      %add3A_397 = arith.addi %mul3A_394, %mul3A_396 : i32
      %dma_start3A_398 = arith.constant 0 : i32
      %dma_start3A_399 = tpu.memref_slice %arg4[%add3A_397, %dma_start3A_398] : memref<53248x128xf32, #tpu.memory_space<hbm>> -> memref<64x128xf32, #tpu.memory_space<hbm>>
      %dma_start3A_400 = arith.constant 0 : i32
      %dma_start3A_401 = tpu.memref_slice %arg4[%add3A_397, %dma_start3A_400] : memref<53248x128xf32, #tpu.memory_space<hbm>> -> memref<64x128xf32, #tpu.memory_space<hbm>>
      tpu.enqueue_dma source(%arg8 : memref<64x128xf32, #tpu.memory_space<vmem>>) target(%dma_start3A_401 : memref<64x128xf32, #tpu.memory_space<hbm>>) target_semaphore(%arg13 : memref<!tpu.dma_semaphore, #tpu.memory_space<semaphore_mem>>)
      %lt3A = arith.constant 12 : i32
      %lt3A_402 = arith.cmpi slt, %scan3A_311, %lt3A : i32
      %convert_element_type3A_403 = arith.extui %lt3A_402 : i1 to i32
      %cond3A_404 = arith.constant 0 : i32
      %cond3A_405 = arith.cmpi ne, %convert_element_type3A_403, %cond3A_404 : i32
      scf.if %cond3A_405 {
        %dma_wait3A_432 = arith.constant 0 : i32
        %dma_wait3A_433 = arith.constant 0 : i32
        %dma_wait3A_434 = tpu.memref_slice %arg4[%dma_wait3A_432, %dma_wait3A_433] : memref<53248x128xf32, #tpu.memory_space<hbm>> -> memref<64x128xf32, #tpu.memory_space<hbm>>
        %dma_wait3A_435 = arith.constant 0 : i32
        %dma_wait3A_436 = arith.constant 0 : i32
        %dma_wait3A_437 = tpu.memref_slice %arg4[%dma_wait3A_435, %dma_wait3A_436] : memref<53248x128xf32, #tpu.memory_space<hbm>> -> memref<64x128xf32, #tpu.memory_space<hbm>>
        tpu.wait_dma2 semaphore(%arg13 : memref<!tpu.dma_semaphore, #tpu.memory_space<semaphore_mem>>) src(%arg8 : memref<64x128xf32, #tpu.memory_space<vmem>>) dst(%dma_wait3A_437 : memref<64x128xf32, #tpu.memory_space<hbm>>)
        %add3A_438 = arith.constant 2 : i32
        %add3A_439 = arith.addi %mul3A_313, %add3A_438 : i32
        %mul3A_440 = arith.constant 512 : i32
        %mul3A_441 = arith.muli %add3A_439, %mul3A_440 : i32
        %add3A_442 = arith.constant 0 : i32
        %add3A_443 = arith.addi %mul3A_441, %add3A_442 : i32
        %dma_start3A_444 = arith.constant 0 : i32
        %dma_start3A_445 = arith.constant 0 : i32
        %dma_start3A_446 = tpu.memref_slice %arg6[%dma_start3A_444, %dma_start3A_445] : memref<512x16xf32, #tpu.memory_space<vmem>> -> memref<128x16xf32, #tpu.memory_space<vmem>>
        %dma_start3A_447 = tpu.memref_slice %arg5[%add3A_443] : memref<13312xi32, #tpu.memory_space<vmem>> -> memref<128xi32, #tpu.memory_space<vmem>>
        %dma_start3A_448 = arith.constant 0 : i32
        %dma_start3A_449 = arith.constant 0 : i32
        %dma_start3A_450 = tpu.memref_slice %arg2[%add3A_439, %dma_start3A_448, %dma_start3A_449] : memref<26x100000x16xf32, #tpu.memory_space<hbm>> -> memref<1x100000x16xf32, #tpu.memory_space<hbm>>
        %dma_start3A_451 = tpu.memref_squeeze %dma_start3A_450 : memref<1x100000x16xf32, #tpu.memory_space<hbm>> -> memref<100000x16xf32, #tpu.memory_space<hbm>>
        %dma_start3A_452 = arith.constant 0 : i32
        %dma_start3A_453 = arith.constant 0 : i32
        %dma_start3A_454 = tpu.memref_slice %dma_start3A_451[%dma_start3A_452, %dma_start3A_453] : memref<100000x16xf32, #tpu.memory_space<hbm>> -> memref<100000x16xf32, #tpu.memory_space<hbm>>
        tpu.enqueue_indirect_dma source(%dma_start3A_454 : memref<100000x16xf32, #tpu.memory_space<hbm>>) target(%dma_start3A_446 : memref<128x16xf32, #tpu.memory_space<vmem>>) offsets(%dma_start3A_447 : memref<128xi32, #tpu.memory_space<vmem>>) semaphore(%arg11 : memref<!tpu.dma_semaphore, #tpu.memory_space<semaphore_mem>>)
        %mul3A_455 = arith.constant 512 : i32
        %mul3A_456 = arith.muli %add3A_439, %mul3A_455 : i32
        %add3A_457 = arith.constant 128 : i32
        %add3A_458 = arith.addi %mul3A_456, %add3A_457 : i32
        %dma_start3A_459 = arith.constant 128 : i32
        %dma_start3A_460 = arith.constant 0 : i32
        %dma_start3A_461 = tpu.memref_slice %arg6[%dma_start3A_459, %dma_start3A_460] : memref<512x16xf32, #tpu.memory_space<vmem>> -> memref<128x16xf32, #tpu.memory_space<vmem>>
        %dma_start3A_462 = tpu.memref_slice %arg5[%add3A_458] : memref<13312xi32, #tpu.memory_space<vmem>> -> memref<128xi32, #tpu.memory_space<vmem>>
        %dma_start3A_463 = arith.constant 0 : i32
        %dma_start3A_464 = arith.constant 0 : i32
        %dma_start3A_465 = tpu.memref_slice %arg2[%add3A_439, %dma_start3A_463, %dma_start3A_464] : memref<26x100000x16xf32, #tpu.memory_space<hbm>> -> memref<1x100000x16xf32, #tpu.memory_space<hbm>>
        %dma_start3A_466 = tpu.memref_squeeze %dma_start3A_465 : memref<1x100000x16xf32, #tpu.memory_space<hbm>> -> memref<100000x16xf32, #tpu.memory_space<hbm>>
        %dma_start3A_467 = arith.constant 0 : i32
        %dma_start3A_468 = arith.constant 0 : i32
        %dma_start3A_469 = tpu.memref_slice %dma_start3A_466[%dma_start3A_467, %dma_start3A_468] : memref<100000x16xf32, #tpu.memory_space<hbm>> -> memref<100000x16xf32, #tpu.memory_space<hbm>>
        tpu.enqueue_indirect_dma source(%dma_start3A_469 : memref<100000x16xf32, #tpu.memory_space<hbm>>) target(%dma_start3A_461 : memref<128x16xf32, #tpu.memory_space<vmem>>) offsets(%dma_start3A_462 : memref<128xi32, #tpu.memory_space<vmem>>) semaphore(%arg11 : memref<!tpu.dma_semaphore, #tpu.memory_space<semaphore_mem>>)
        %mul3A_470 = arith.constant 512 : i32
        %mul3A_471 = arith.muli %add3A_439, %mul3A_470 : i32
        %add3A_472 = arith.constant 256 : i32
        %add3A_473 = arith.addi %mul3A_471, %add3A_472 : i32
        %dma_start3A_474 = arith.constant 256 : i32
        %dma_start3A_475 = arith.constant 0 : i32
        %dma_start3A_476 = tpu.memref_slice %arg6[%dma_start3A_474, %dma_start3A_475] : memref<512x16xf32, #tpu.memory_space<vmem>> -> memref<128x16xf32, #tpu.memory_space<vmem>>
        %dma_start3A_477 = tpu.memref_slice %arg5[%add3A_473] : memref<13312xi32, #tpu.memory_space<vmem>> -> memref<128xi32, #tpu.memory_space<vmem>>
        %dma_start3A_478 = arith.constant 0 : i32
        %dma_start3A_479 = arith.constant 0 : i32
        %dma_start3A_480 = tpu.memref_slice %arg2[%add3A_439, %dma_start3A_478, %dma_start3A_479] : memref<26x100000x16xf32, #tpu.memory_space<hbm>> -> memref<1x100000x16xf32, #tpu.memory_space<hbm>>
        %dma_start3A_481 = tpu.memref_squeeze %dma_start3A_480 : memref<1x100000x16xf32, #tpu.memory_space<hbm>> -> memref<100000x16xf32, #tpu.memory_space<hbm>>
        %dma_start3A_482 = arith.constant 0 : i32
        %dma_start3A_483 = arith.constant 0 : i32
        %dma_start3A_484 = tpu.memref_slice %dma_start3A_481[%dma_start3A_482, %dma_start3A_483] : memref<100000x16xf32, #tpu.memory_space<hbm>> -> memref<100000x16xf32, #tpu.memory_space<hbm>>
        tpu.enqueue_indirect_dma source(%dma_start3A_484 : memref<100000x16xf32, #tpu.memory_space<hbm>>) target(%dma_start3A_476 : memref<128x16xf32, #tpu.memory_space<vmem>>) offsets(%dma_start3A_477 : memref<128xi32, #tpu.memory_space<vmem>>) semaphore(%arg11 : memref<!tpu.dma_semaphore, #tpu.memory_space<semaphore_mem>>)
        %mul3A_485 = arith.constant 512 : i32
        %mul3A_486 = arith.muli %add3A_439, %mul3A_485 : i32
        %add3A_487 = arith.constant 384 : i32
        %add3A_488 = arith.addi %mul3A_486, %add3A_487 : i32
        %dma_start3A_489 = arith.constant 384 : i32
        %dma_start3A_490 = arith.constant 0 : i32
        %dma_start3A_491 = tpu.memref_slice %arg6[%dma_start3A_489, %dma_start3A_490] : memref<512x16xf32, #tpu.memory_space<vmem>> -> memref<128x16xf32, #tpu.memory_space<vmem>>
        %dma_start3A_492 = tpu.memref_slice %arg5[%add3A_488] : memref<13312xi32, #tpu.memory_space<vmem>> -> memref<128xi32, #tpu.memory_space<vmem>>
        %dma_start3A_493 = arith.constant 0 : i32
        %dma_start3A_494 = arith.constant 0 : i32
        %dma_start3A_495 = tpu.memref_slice %arg2[%add3A_439, %dma_start3A_493, %dma_start3A_494] : memref<26x100000x16xf32, #tpu.memory_space<hbm>> -> memref<1x100000x16xf32, #tpu.memory_space<hbm>>
        %dma_start3A_496 = tpu.memref_squeeze %dma_start3A_495 : memref<1x100000x16xf32, #tpu.memory_space<hbm>> -> memref<100000x16xf32, #tpu.memory_space<hbm>>
        %dma_start3A_497 = arith.constant 0 : i32
        %dma_start3A_498 = arith.constant 0 : i32
        %dma_start3A_499 = tpu.memref_slice %dma_start3A_496[%dma_start3A_497, %dma_start3A_498] : memref<100000x16xf32, #tpu.memory_space<hbm>> -> memref<100000x16xf32, #tpu.memory_space<hbm>>
        tpu.enqueue_indirect_dma source(%dma_start3A_499 : memref<100000x16xf32, #tpu.memory_space<hbm>>) target(%dma_start3A_491 : memref<128x16xf32, #tpu.memory_space<vmem>>) offsets(%dma_start3A_492 : memref<128xi32, #tpu.memory_space<vmem>>) semaphore(%arg11 : memref<!tpu.dma_semaphore, #tpu.memory_space<semaphore_mem>>)
      } else {
      }
      %dma_wait3A_406 = arith.constant 0 : i32
      %dma_wait3A_407 = arith.constant 0 : i32
      %dma_wait3A_408 = arith.constant 0 : i32
      %dma_wait3A_409 = tpu.memref_slice %arg2[%dma_wait3A_406, %dma_wait3A_407, %dma_wait3A_408] : memref<26x100000x16xf32, #tpu.memory_space<hbm>> -> memref<1x512x16xf32, #tpu.memory_space<hbm>>
      %dma_wait3A_410 = tpu.memref_squeeze %dma_wait3A_409 : memref<1x512x16xf32, #tpu.memory_space<hbm>> -> memref<512x16xf32, #tpu.memory_space<hbm>>
      %dma_wait3A_411 = arith.constant 0 : i32
      %dma_wait3A_412 = arith.constant 0 : i32
      %dma_wait3A_413 = tpu.memref_slice %arg2[%dma_wait3A_406, %dma_wait3A_411, %dma_wait3A_412] : memref<26x100000x16xf32, #tpu.memory_space<hbm>> -> memref<1x512x16xf32, #tpu.memory_space<hbm>>
      %dma_wait3A_414 = tpu.memref_squeeze %dma_wait3A_413 : memref<1x512x16xf32, #tpu.memory_space<hbm>> -> memref<512x16xf32, #tpu.memory_space<hbm>>
      tpu.wait_dma2 semaphore(%arg12 : memref<!tpu.dma_semaphore, #tpu.memory_space<semaphore_mem>>) src(%dma_wait3A_414 : memref<512x16xf32, #tpu.memory_space<hbm>>) dst(%arg7 : memref<512x16xf32, #tpu.memory_space<vmem>>)
      %scan3A_415 = arith.constant 0 : i32
      %scan3A_416 = arith.constant 0 : i32
      %scan3A_417 = arith.constant 64 : i32
      %scan3A_418 = arith.addi %scan3A_416, %scan3A_417 : i32
      %scan3A_419 = arith.constant 1 : i32
      scf.for %scan3A_432 = %scan3A_416 to %scan3A_418 step %scan3A_419  : i32 {
        %mul3A_433 = arith.constant 8 : i32
        %mul3A_434 = arith.muli %scan3A_432, %mul3A_433 : i32
        %add3A_435 = arith.constant 0 : i32
        %add3A_436 = arith.addi %mul3A_434, %add3A_435 : i32
        %get3A = arith.index_cast %add3A_436 : i32 to index
        %get3A_437 = arith.constant 0 : index
        %get3A_438 = tpu.vector_load %arg7[%get3A, %get3A_437] {strides = array<i32>} : memref<512x16xf32, #tpu.memory_space<vmem>>, vector<1x16xf32>,
        %get3A_439 = vector.shape_cast %get3A_438 : vector<1x16xf32> to vector<16xf32>
        %swap3A = arith.index_cast %scan3A_432 : i32 to index
        %swap3A_440 = arith.constant 0 : index
        %swap3A_441 = tpu.vector_load %arg9[%swap3A, %swap3A_440] {strides = array<i32>} : memref<64x128xf32, #tpu.memory_space<vmem>>, vector<1x16xf32>,
        %swap3A_442 = vector.shape_cast %swap3A_441 : vector<1x16xf32> to vector<16xf32>
        %swap3A_443 = vector.shape_cast %get3A_439 : vector<16xf32> to vector<1x16xf32>
        tpu.vector_store %arg9[%swap3A, %swap3A_440], %swap3A_443 {strides = array<i32>} : memref<64x128xf32, #tpu.memory_space<vmem>>, vector<1x16xf32>,
        %mul3A_444 = arith.constant 8 : i32
        %mul3A_445 = arith.muli %scan3A_432, %mul3A_444 : i32
        %add3A_446 = arith.constant 1 : i32
        %add3A_447 = arith.addi %mul3A_445, %add3A_446 : i32
        %get3A_448 = arith.index_cast %add3A_447 : i32 to index
        %get3A_449 = arith.constant 0 : index
        %get3A_450 = tpu.vector_load %arg7[%get3A_448, %get3A_449] {strides = array<i32>} : memref<512x16xf32, #tpu.memory_space<vmem>>, vector<1x16xf32>,
        %get3A_451 = vector.shape_cast %get3A_450 : vector<1x16xf32> to vector<16xf32>
        %swap3A_452 = arith.index_cast %scan3A_432 : i32 to index
        %swap3A_453 = arith.constant 16 : index
        %swap3A_454 = tpu.vector_load %arg9[%swap3A_452, %swap3A_453] {strides = array<i32>} : memref<64x128xf32, #tpu.memory_space<vmem>>, vector<1x16xf32>,
        %swap3A_455 = vector.shape_cast %swap3A_454 : vector<1x16xf32> to vector<16xf32>
        %swap3A_456 = vector.shape_cast %get3A_451 : vector<16xf32> to vector<1x16xf32>
        tpu.vector_store %arg9[%swap3A_452, %swap3A_453], %swap3A_456 {strides = array<i32>} : memref<64x128xf32, #tpu.memory_space<vmem>>, vector<1x16xf32>,
        %mul3A_457 = arith.constant 8 : i32
        %mul3A_458 = arith.muli %scan3A_432, %mul3A_457 : i32
        %add3A_459 = arith.constant 2 : i32
        %add3A_460 = arith.addi %mul3A_458, %add3A_459 : i32
        %get3A_461 = arith.index_cast %add3A_460 : i32 to index
        %get3A_462 = arith.constant 0 : index
        %get3A_463 = tpu.vector_load %arg7[%get3A_461, %get3A_462] {strides = array<i32>} : memref<512x16xf32, #tpu.memory_space<vmem>>, vector<1x16xf32>,
        %get3A_464 = vector.shape_cast %get3A_463 : vector<1x16xf32> to vector<16xf32>
        %swap3A_465 = arith.index_cast %scan3A_432 : i32 to index
        %swap3A_466 = arith.constant 32 : index
        %swap3A_467 = tpu.vector_load %arg9[%swap3A_465, %swap3A_466] {strides = array<i32>} : memref<64x128xf32, #tpu.memory_space<vmem>>, vector<1x16xf32>,
        %swap3A_468 = vector.shape_cast %swap3A_467 : vector<1x16xf32> to vector<16xf32>
        %swap3A_469 = vector.shape_cast %get3A_464 : vector<16xf32> to vector<1x16xf32>
        tpu.vector_store %arg9[%swap3A_465, %swap3A_466], %swap3A_469 {strides = array<i32>} : memref<64x128xf32, #tpu.memory_space<vmem>>, vector<1x16xf32>,
        %mul3A_470 = arith.constant 8 : i32
        %mul3A_471 = arith.muli %scan3A_432, %mul3A_470 : i32
        %add3A_472 = arith.constant 3 : i32
        %add3A_473 = arith.addi %mul3A_471, %add3A_472 : i32
        %get3A_474 = arith.index_cast %add3A_473 : i32 to index
        %get3A_475 = arith.constant 0 : index
        %get3A_476 = tpu.vector_load %arg7[%get3A_474, %get3A_475] {strides = array<i32>} : memref<512x16xf32, #tpu.memory_space<vmem>>, vector<1x16xf32>,
        %get3A_477 = vector.shape_cast %get3A_476 : vector<1x16xf32> to vector<16xf32>
        %swap3A_478 = arith.index_cast %scan3A_432 : i32 to index
        %swap3A_479 = arith.constant 48 : index
        %swap3A_480 = tpu.vector_load %arg9[%swap3A_478, %swap3A_479] {strides = array<i32>} : memref<64x128xf32, #tpu.memory_space<vmem>>, vector<1x16xf32>,
        %swap3A_481 = vector.shape_cast %swap3A_480 : vector<1x16xf32> to vector<16xf32>
        %swap3A_482 = vector.shape_cast %get3A_477 : vector<16xf32> to vector<1x16xf32>
        tpu.vector_store %arg9[%swap3A_478, %swap3A_479], %swap3A_482 {strides = array<i32>} : memref<64x128xf32, #tpu.memory_space<vmem>>, vector<1x16xf32>,
        %mul3A_483 = arith.constant 8 : i32
        %mul3A_484 = arith.muli %scan3A_432, %mul3A_483 : i32
        %add3A_485 = arith.constant 4 : i32
        %add3A_486 = arith.addi %mul3A_484, %add3A_485 : i32
        %get3A_487 = arith.index_cast %add3A_486 : i32 to index
        %get3A_488 = arith.constant 0 : index
        %get3A_489 = tpu.vector_load %arg7[%get3A_487, %get3A_488] {strides = array<i32>} : memref<512x16xf32, #tpu.memory_space<vmem>>, vector<1x16xf32>,
        %get3A_490 = vector.shape_cast %get3A_489 : vector<1x16xf32> to vector<16xf32>
        %swap3A_491 = arith.index_cast %scan3A_432 : i32 to index
        %swap3A_492 = arith.constant 64 : index
        %swap3A_493 = tpu.vector_load %arg9[%swap3A_491, %swap3A_492] {strides = array<i32>} : memref<64x128xf32, #tpu.memory_space<vmem>>, vector<1x16xf32>,
        %swap3A_494 = vector.shape_cast %swap3A_493 : vector<1x16xf32> to vector<16xf32>
        %swap3A_495 = vector.shape_cast %get3A_490 : vector<16xf32> to vector<1x16xf32>
        tpu.vector_store %arg9[%swap3A_491, %swap3A_492], %swap3A_495 {strides = array<i32>} : memref<64x128xf32, #tpu.memory_space<vmem>>, vector<1x16xf32>,
        %mul3A_496 = arith.constant 8 : i32
        %mul3A_497 = arith.muli %scan3A_432, %mul3A_496 : i32
        %add3A_498 = arith.constant 5 : i32
        %add3A_499 = arith.addi %mul3A_497, %add3A_498 : i32
        %get3A_500 = arith.index_cast %add3A_499 : i32 to index
        %get3A_501 = arith.constant 0 : index
        %get3A_502 = tpu.vector_load %arg7[%get3A_500, %get3A_501] {strides = array<i32>} : memref<512x16xf32, #tpu.memory_space<vmem>>, vector<1x16xf32>,
        %get3A_503 = vector.shape_cast %get3A_502 : vector<1x16xf32> to vector<16xf32>
        %swap3A_504 = arith.index_cast %scan3A_432 : i32 to index
        %swap3A_505 = arith.constant 80 : index
        %swap3A_506 = tpu.vector_load %arg9[%swap3A_504, %swap3A_505] {strides = array<i32>} : memref<64x128xf32, #tpu.memory_space<vmem>>, vector<1x16xf32>,
        %swap3A_507 = vector.shape_cast %swap3A_506 : vector<1x16xf32> to vector<16xf32>
        %swap3A_508 = vector.shape_cast %get3A_503 : vector<16xf32> to vector<1x16xf32>
        tpu.vector_store %arg9[%swap3A_504, %swap3A_505], %swap3A_508 {strides = array<i32>} : memref<64x128xf32, #tpu.memory_space<vmem>>, vector<1x16xf32>,
        %mul3A_509 = arith.constant 8 : i32
        %mul3A_510 = arith.muli %scan3A_432, %mul3A_509 : i32
        %add3A_511 = arith.constant 6 : i32
        %add3A_512 = arith.addi %mul3A_510, %add3A_511 : i32
        %get3A_513 = arith.index_cast %add3A_512 : i32 to index
        %get3A_514 = arith.constant 0 : index
        %get3A_515 = tpu.vector_load %arg7[%get3A_513, %get3A_514] {strides = array<i32>} : memref<512x16xf32, #tpu.memory_space<vmem>>, vector<1x16xf32>,
        %get3A_516 = vector.shape_cast %get3A_515 : vector<1x16xf32> to vector<16xf32>
        %swap3A_517 = arith.index_cast %scan3A_432 : i32 to index
        %swap3A_518 = arith.constant 96 : index
        %swap3A_519 = tpu.vector_load %arg9[%swap3A_517, %swap3A_518] {strides = array<i32>} : memref<64x128xf32, #tpu.memory_space<vmem>>, vector<1x16xf32>,
        %swap3A_520 = vector.shape_cast %swap3A_519 : vector<1x16xf32> to vector<16xf32>
        %swap3A_521 = vector.shape_cast %get3A_516 : vector<16xf32> to vector<1x16xf32>
        tpu.vector_store %arg9[%swap3A_517, %swap3A_518], %swap3A_521 {strides = array<i32>} : memref<64x128xf32, #tpu.memory_space<vmem>>, vector<1x16xf32>,
        %mul3A_522 = arith.constant 8 : i32
        %mul3A_523 = arith.muli %scan3A_432, %mul3A_522 : i32
        %add3A_524 = arith.constant 7 : i32
        %add3A_525 = arith.addi %mul3A_523, %add3A_524 : i32
        %get3A_526 = arith.index_cast %add3A_525 : i32 to index
        %get3A_527 = arith.constant 0 : index
        %get3A_528 = tpu.vector_load %arg7[%get3A_526, %get3A_527] {strides = array<i32>} : memref<512x16xf32, #tpu.memory_space<vmem>>, vector<1x16xf32>,
        %get3A_529 = vector.shape_cast %get3A_528 : vector<1x16xf32> to vector<16xf32>
        %swap3A_530 = arith.index_cast %scan3A_432 : i32 to index
        %swap3A_531 = arith.constant 112 : index
        %swap3A_532 = tpu.vector_load %arg9[%swap3A_530, %swap3A_531] {strides = array<i32>} : memref<64x128xf32, #tpu.memory_space<vmem>>, vector<1x16xf32>,
        %swap3A_533 = vector.shape_cast %swap3A_532 : vector<1x16xf32> to vector<16xf32>
        %swap3A_534 = vector.shape_cast %get3A_529 : vector<16xf32> to vector<1x16xf32>
        tpu.vector_store %arg9[%swap3A_530, %swap3A_531], %swap3A_534 {strides = array<i32>} : memref<64x128xf32, #tpu.memory_space<vmem>>, vector<1x16xf32>,
      }
      %scan3A_420 = arith.constant 64 : i32
      %add3A_421 = arith.constant 1 : i32
      %add3A_422 = arith.addi %mul3A_313, %add3A_421 : i32
      %mul3A_423 = arith.constant 2048 : i32
      %mul3A_424 = arith.muli %add3A_422, %mul3A_423 : i32
      %mul3A_425 = arith.constant 64 : i32
      %mul3A_426 = arith.muli %add3A, %mul3A_425 : i32
      %add3A_427 = arith.addi %mul3A_424, %mul3A_426 : i32
      %dma_start3A_428 = arith.constant 0 : i32
      %dma_start3A_429 = tpu.memref_slice %arg4[%add3A_427, %dma_start3A_428] : memref<53248x128xf32, #tpu.memory_space<hbm>> -> memref<64x128xf32, #tpu.memory_space<hbm>>
      %dma_start3A_430 = arith.constant 0 : i32
      %dma_start3A_431 = tpu.memref_slice %arg4[%add3A_427, %dma_start3A_430] : memref<53248x128xf32, #tpu.memory_space<hbm>> -> memref<64x128xf32, #tpu.memory_space<hbm>>
      tpu.enqueue_dma source(%arg9 : memref<64x128xf32, #tpu.memory_space<vmem>>) target(%dma_start3A_431 : memref<64x128xf32, #tpu.memory_space<hbm>>) target_semaphore(%arg14 : memref<!tpu.dma_semaphore, #tpu.memory_space<semaphore_mem>>)
    }
    %scan3A_298 = arith.constant 13 : i32
    %dma_wait3A_299 = arith.constant 0 : i32
    %dma_wait3A_300 = arith.constant 0 : i32
    %dma_wait3A_301 = tpu.memref_slice %arg4[%dma_wait3A_299, %dma_wait3A_300] : memref<53248x128xf32, #tpu.memory_space<hbm>> -> memref<64x128xf32, #tpu.memory_space<hbm>>
    %dma_wait3A_302 = arith.constant 0 : i32
    %dma_wait3A_303 = arith.constant 0 : i32
    %dma_wait3A_304 = tpu.memref_slice %arg4[%dma_wait3A_302, %dma_wait3A_303] : memref<53248x128xf32, #tpu.memory_space<hbm>> -> memref<64x128xf32, #tpu.memory_space<hbm>>
    tpu.wait_dma2 semaphore(%arg13 : memref<!tpu.dma_semaphore, #tpu.memory_space<semaphore_mem>>) src(%arg8 : memref<64x128xf32, #tpu.memory_space<vmem>>) dst(%dma_wait3A_304 : memref<64x128xf32, #tpu.memory_space<hbm>>)
    %dma_wait3A_305 = arith.constant 0 : i32
    %dma_wait3A_306 = arith.constant 0 : i32
    %dma_wait3A_307 = tpu.memref_slice %arg4[%dma_wait3A_305, %dma_wait3A_306] : memref<53248x128xf32, #tpu.memory_space<hbm>> -> memref<64x128xf32, #tpu.memory_space<hbm>>
    %dma_wait3A_308 = arith.constant 0 : i32
    %dma_wait3A_309 = arith.constant 0 : i32
    %dma_wait3A_310 = tpu.memref_slice %arg4[%dma_wait3A_308, %dma_wait3A_309] : memref<53248x128xf32, #tpu.memory_space<hbm>> -> memref<64x128xf32, #tpu.memory_space<hbm>>
    tpu.wait_dma2 semaphore(%arg14 : memref<!tpu.dma_semaphore, #tpu.memory_space<semaphore_mem>>) src(%arg9 : memref<64x128xf32, #tpu.memory_space<vmem>>) dst(%dma_wait3A_310 : memref<64x128xf32, #tpu.memory_space<hbm>>)
    return
  }
}

module attributes {stable_mosaic.version = 14 : i64} {
  func.func @body(%arg0: i32, %arg1: memref<26x256x128xf32, #tpu.memory_space<vmem>>, %arg2: memref<256x104xf32, #tpu.memory_space<vmem>>, %arg3: memref<26x128x16xf32, #tpu.memory_space<vmem>>, %arg4: memref<104x16xf32, #tpu.memory_space<vmem>>, %arg5: memref<1x16xf32, #tpu.memory_space<vmem>>, %arg6: memref<256x16xf32, #tpu.memory_space<vmem>>) attributes {dimension_semantics = [#tpu.dimension_semantics<arbitrary>], iteration_bounds = array<i64: 8>, scalar_prefetch = 0 : i64, scratch_operands = 0 : i64, tpu.core_type = #tpu.core_type<tc>, window_params = [{transform_indices = @transform_0, window_bounds = array<i64: 26, 256, 128>}, {transform_indices = @transform_1, window_bounds = array<i64: 256, 104>}, {pipeline_mode = #tpu.pipeline_mode<synchronous>, transform_indices = @transform_2, window_bounds = array<i64: 26, 128, 16>}, {pipeline_mode = #tpu.pipeline_mode<synchronous>, transform_indices = @transform_3, window_bounds = array<i64: 104, 16>}, {pipeline_mode = #tpu.pipeline_mode<synchronous>, transform_indices = @transform_4, window_bounds = array<i64: 1, 16>}, {transform_indices = @transform_5, window_bounds = array<i64: 256, 16>}]} {
    %get3A = arith.constant 0 : index
    %get3A_0 = arith.constant 0 : index
    %get3A_1 = vector.load %arg2[%get3A, %get3A_0] : memref<256x104xf32, #tpu.memory_space<vmem>>, vector<256x104xf32>
    %get3A_2 = arith.constant 0 : index
    %get3A_3 = arith.constant 0 : index
    %get3A_4 = vector.load %arg4[%get3A_2, %get3A_3] : memref<104x16xf32, #tpu.memory_space<vmem>>, vector<104x16xf32>
    %dot_general3A = arith.constant dense<0.000000e+00> : vector<256x16xf32>
    %dot_general3A_5 = tpu.matmul %get3A_1, %get3A_4, %dot_general3A {dimension_numbers = #tpu.dot_dimension_numbers<[1], [0], [0], [1], [0, 0, 1, 1], [], []>, transpose_lhs_hint = false} : vector<256x104xf32>, vector<104x16xf32>, vector<256x16xf32> -> vector<256x16xf32>
    %get3A_6 = arith.constant 0 : index
    %get3A_7 = arith.constant 0 : index
    %get3A_8 = arith.constant 0 : index
    %get3A_9 = vector.load %arg1[%get3A_6, %get3A_7, %get3A_8] : memref<26x256x128xf32, #tpu.memory_space<vmem>>, vector<1x256x128xf32>
    %get3A_10 = vector.shape_cast %get3A_9 : vector<1x256x128xf32> to vector<256x128xf32>
    %get3A_11 = arith.constant 0 : index
    %get3A_12 = arith.constant 0 : index
    %get3A_13 = arith.constant 0 : index
    %get3A_14 = vector.load %arg3[%get3A_11, %get3A_12, %get3A_13] : memref<26x128x16xf32, #tpu.memory_space<vmem>>, vector<1x128x16xf32>
    %get3A_15 = vector.shape_cast %get3A_14 : vector<1x128x16xf32> to vector<128x16xf32>
    %dot_general3A_16 = arith.constant dense<0.000000e+00> : vector<256x16xf32>
    %dot_general3A_17 = tpu.matmul %get3A_10, %get3A_15, %dot_general3A_16 {dimension_numbers = #tpu.dot_dimension_numbers<[1], [0], [0], [1], [0, 0, 1, 1], [], []>, transpose_lhs_hint = false} : vector<256x128xf32>, vector<128x16xf32>, vector<256x16xf32> -> vector<256x16xf32>
    %add3A = arith.addf %dot_general3A_5, %dot_general3A_17 : vector<256x16xf32>
    %get3A_18 = arith.constant 1 : index
    %get3A_19 = arith.constant 0 : index
    %get3A_20 = arith.constant 0 : index
    %get3A_21 = vector.load %arg1[%get3A_18, %get3A_19, %get3A_20] : memref<26x256x128xf32, #tpu.memory_space<vmem>>, vector<1x256x128xf32>
    %get3A_22 = vector.shape_cast %get3A_21 : vector<1x256x128xf32> to vector<256x128xf32>
    %get3A_23 = arith.constant 1 : index
    %get3A_24 = arith.constant 0 : index
    %get3A_25 = arith.constant 0 : index
    %get3A_26 = vector.load %arg3[%get3A_23, %get3A_24, %get3A_25] : memref<26x128x16xf32, #tpu.memory_space<vmem>>, vector<1x128x16xf32>
    %get3A_27 = vector.shape_cast %get3A_26 : vector<1x128x16xf32> to vector<128x16xf32>
    %dot_general3A_28 = arith.constant dense<0.000000e+00> : vector<256x16xf32>
    %dot_general3A_29 = tpu.matmul %get3A_22, %get3A_27, %dot_general3A_28 {dimension_numbers = #tpu.dot_dimension_numbers<[1], [0], [0], [1], [0, 0, 1, 1], [], []>, transpose_lhs_hint = false} : vector<256x128xf32>, vector<128x16xf32>, vector<256x16xf32> -> vector<256x16xf32>
    %add3A_30 = arith.addf %add3A, %dot_general3A_29 : vector<256x16xf32>
    %get3A_31 = arith.constant 2 : index
    %get3A_32 = arith.constant 0 : index
    %get3A_33 = arith.constant 0 : index
    %get3A_34 = vector.load %arg1[%get3A_31, %get3A_32, %get3A_33] : memref<26x256x128xf32, #tpu.memory_space<vmem>>, vector<1x256x128xf32>
    %get3A_35 = vector.shape_cast %get3A_34 : vector<1x256x128xf32> to vector<256x128xf32>
    %get3A_36 = arith.constant 2 : index
    %get3A_37 = arith.constant 0 : index
    %get3A_38 = arith.constant 0 : index
    %get3A_39 = vector.load %arg3[%get3A_36, %get3A_37, %get3A_38] : memref<26x128x16xf32, #tpu.memory_space<vmem>>, vector<1x128x16xf32>
    %get3A_40 = vector.shape_cast %get3A_39 : vector<1x128x16xf32> to vector<128x16xf32>
    %dot_general3A_41 = arith.constant dense<0.000000e+00> : vector<256x16xf32>
    %dot_general3A_42 = tpu.matmul %get3A_35, %get3A_40, %dot_general3A_41 {dimension_numbers = #tpu.dot_dimension_numbers<[1], [0], [0], [1], [0, 0, 1, 1], [], []>, transpose_lhs_hint = false} : vector<256x128xf32>, vector<128x16xf32>, vector<256x16xf32> -> vector<256x16xf32>
    %add3A_43 = arith.addf %add3A_30, %dot_general3A_42 : vector<256x16xf32>
    %get3A_44 = arith.constant 3 : index
    %get3A_45 = arith.constant 0 : index
    %get3A_46 = arith.constant 0 : index
    %get3A_47 = vector.load %arg1[%get3A_44, %get3A_45, %get3A_46] : memref<26x256x128xf32, #tpu.memory_space<vmem>>, vector<1x256x128xf32>
    %get3A_48 = vector.shape_cast %get3A_47 : vector<1x256x128xf32> to vector<256x128xf32>
    %get3A_49 = arith.constant 3 : index
    %get3A_50 = arith.constant 0 : index
    %get3A_51 = arith.constant 0 : index
    %get3A_52 = vector.load %arg3[%get3A_49, %get3A_50, %get3A_51] : memref<26x128x16xf32, #tpu.memory_space<vmem>>, vector<1x128x16xf32>
    %get3A_53 = vector.shape_cast %get3A_52 : vector<1x128x16xf32> to vector<128x16xf32>
    %dot_general3A_54 = arith.constant dense<0.000000e+00> : vector<256x16xf32>
    %dot_general3A_55 = tpu.matmul %get3A_48, %get3A_53, %dot_general3A_54 {dimension_numbers = #tpu.dot_dimension_numbers<[1], [0], [0], [1], [0, 0, 1, 1], [], []>, transpose_lhs_hint = false} : vector<256x128xf32>, vector<128x16xf32>, vector<256x16xf32> -> vector<256x16xf32>
    %add3A_56 = arith.addf %add3A_43, %dot_general3A_55 : vector<256x16xf32>
    %get3A_57 = arith.constant 4 : index
    %get3A_58 = arith.constant 0 : index
    %get3A_59 = arith.constant 0 : index
    %get3A_60 = vector.load %arg1[%get3A_57, %get3A_58, %get3A_59] : memref<26x256x128xf32, #tpu.memory_space<vmem>>, vector<1x256x128xf32>
    %get3A_61 = vector.shape_cast %get3A_60 : vector<1x256x128xf32> to vector<256x128xf32>
    %get3A_62 = arith.constant 4 : index
    %get3A_63 = arith.constant 0 : index
    %get3A_64 = arith.constant 0 : index
    %get3A_65 = vector.load %arg3[%get3A_62, %get3A_63, %get3A_64] : memref<26x128x16xf32, #tpu.memory_space<vmem>>, vector<1x128x16xf32>
    %get3A_66 = vector.shape_cast %get3A_65 : vector<1x128x16xf32> to vector<128x16xf32>
    %dot_general3A_67 = arith.constant dense<0.000000e+00> : vector<256x16xf32>
    %dot_general3A_68 = tpu.matmul %get3A_61, %get3A_66, %dot_general3A_67 {dimension_numbers = #tpu.dot_dimension_numbers<[1], [0], [0], [1], [0, 0, 1, 1], [], []>, transpose_lhs_hint = false} : vector<256x128xf32>, vector<128x16xf32>, vector<256x16xf32> -> vector<256x16xf32>
    %add3A_69 = arith.addf %add3A_56, %dot_general3A_68 : vector<256x16xf32>
    %get3A_70 = arith.constant 5 : index
    %get3A_71 = arith.constant 0 : index
    %get3A_72 = arith.constant 0 : index
    %get3A_73 = vector.load %arg1[%get3A_70, %get3A_71, %get3A_72] : memref<26x256x128xf32, #tpu.memory_space<vmem>>, vector<1x256x128xf32>
    %get3A_74 = vector.shape_cast %get3A_73 : vector<1x256x128xf32> to vector<256x128xf32>
    %get3A_75 = arith.constant 5 : index
    %get3A_76 = arith.constant 0 : index
    %get3A_77 = arith.constant 0 : index
    %get3A_78 = vector.load %arg3[%get3A_75, %get3A_76, %get3A_77] : memref<26x128x16xf32, #tpu.memory_space<vmem>>, vector<1x128x16xf32>
    %get3A_79 = vector.shape_cast %get3A_78 : vector<1x128x16xf32> to vector<128x16xf32>
    %dot_general3A_80 = arith.constant dense<0.000000e+00> : vector<256x16xf32>
    %dot_general3A_81 = tpu.matmul %get3A_74, %get3A_79, %dot_general3A_80 {dimension_numbers = #tpu.dot_dimension_numbers<[1], [0], [0], [1], [0, 0, 1, 1], [], []>, transpose_lhs_hint = false} : vector<256x128xf32>, vector<128x16xf32>, vector<256x16xf32> -> vector<256x16xf32>
    %add3A_82 = arith.addf %add3A_69, %dot_general3A_81 : vector<256x16xf32>
    %get3A_83 = arith.constant 6 : index
    %get3A_84 = arith.constant 0 : index
    %get3A_85 = arith.constant 0 : index
    %get3A_86 = vector.load %arg1[%get3A_83, %get3A_84, %get3A_85] : memref<26x256x128xf32, #tpu.memory_space<vmem>>, vector<1x256x128xf32>
    %get3A_87 = vector.shape_cast %get3A_86 : vector<1x256x128xf32> to vector<256x128xf32>
    %get3A_88 = arith.constant 6 : index
    %get3A_89 = arith.constant 0 : index
    %get3A_90 = arith.constant 0 : index
    %get3A_91 = vector.load %arg3[%get3A_88, %get3A_89, %get3A_90] : memref<26x128x16xf32, #tpu.memory_space<vmem>>, vector<1x128x16xf32>
    %get3A_92 = vector.shape_cast %get3A_91 : vector<1x128x16xf32> to vector<128x16xf32>
    %dot_general3A_93 = arith.constant dense<0.000000e+00> : vector<256x16xf32>
    %dot_general3A_94 = tpu.matmul %get3A_87, %get3A_92, %dot_general3A_93 {dimension_numbers = #tpu.dot_dimension_numbers<[1], [0], [0], [1], [0, 0, 1, 1], [], []>, transpose_lhs_hint = false} : vector<256x128xf32>, vector<128x16xf32>, vector<256x16xf32> -> vector<256x16xf32>
    %add3A_95 = arith.addf %add3A_82, %dot_general3A_94 : vector<256x16xf32>
    %get3A_96 = arith.constant 7 : index
    %get3A_97 = arith.constant 0 : index
    %get3A_98 = arith.constant 0 : index
    %get3A_99 = vector.load %arg1[%get3A_96, %get3A_97, %get3A_98] : memref<26x256x128xf32, #tpu.memory_space<vmem>>, vector<1x256x128xf32>
    %get3A_100 = vector.shape_cast %get3A_99 : vector<1x256x128xf32> to vector<256x128xf32>
    %get3A_101 = arith.constant 7 : index
    %get3A_102 = arith.constant 0 : index
    %get3A_103 = arith.constant 0 : index
    %get3A_104 = vector.load %arg3[%get3A_101, %get3A_102, %get3A_103] : memref<26x128x16xf32, #tpu.memory_space<vmem>>, vector<1x128x16xf32>
    %get3A_105 = vector.shape_cast %get3A_104 : vector<1x128x16xf32> to vector<128x16xf32>
    %dot_general3A_106 = arith.constant dense<0.000000e+00> : vector<256x16xf32>
    %dot_general3A_107 = tpu.matmul %get3A_100, %get3A_105, %dot_general3A_106 {dimension_numbers = #tpu.dot_dimension_numbers<[1], [0], [0], [1], [0, 0, 1, 1], [], []>, transpose_lhs_hint = false} : vector<256x128xf32>, vector<128x16xf32>, vector<256x16xf32> -> vector<256x16xf32>
    %add3A_108 = arith.addf %add3A_95, %dot_general3A_107 : vector<256x16xf32>
    %get3A_109 = arith.constant 8 : index
    %get3A_110 = arith.constant 0 : index
    %get3A_111 = arith.constant 0 : index
    %get3A_112 = vector.load %arg1[%get3A_109, %get3A_110, %get3A_111] : memref<26x256x128xf32, #tpu.memory_space<vmem>>, vector<1x256x128xf32>
    %get3A_113 = vector.shape_cast %get3A_112 : vector<1x256x128xf32> to vector<256x128xf32>
    %get3A_114 = arith.constant 8 : index
    %get3A_115 = arith.constant 0 : index
    %get3A_116 = arith.constant 0 : index
    %get3A_117 = vector.load %arg3[%get3A_114, %get3A_115, %get3A_116] : memref<26x128x16xf32, #tpu.memory_space<vmem>>, vector<1x128x16xf32>
    %get3A_118 = vector.shape_cast %get3A_117 : vector<1x128x16xf32> to vector<128x16xf32>
    %dot_general3A_119 = arith.constant dense<0.000000e+00> : vector<256x16xf32>
    %dot_general3A_120 = tpu.matmul %get3A_113, %get3A_118, %dot_general3A_119 {dimension_numbers = #tpu.dot_dimension_numbers<[1], [0], [0], [1], [0, 0, 1, 1], [], []>, transpose_lhs_hint = false} : vector<256x128xf32>, vector<128x16xf32>, vector<256x16xf32> -> vector<256x16xf32>
    %add3A_121 = arith.addf %add3A_108, %dot_general3A_120 : vector<256x16xf32>
    %get3A_122 = arith.constant 9 : index
    %get3A_123 = arith.constant 0 : index
    %get3A_124 = arith.constant 0 : index
    %get3A_125 = vector.load %arg1[%get3A_122, %get3A_123, %get3A_124] : memref<26x256x128xf32, #tpu.memory_space<vmem>>, vector<1x256x128xf32>
    %get3A_126 = vector.shape_cast %get3A_125 : vector<1x256x128xf32> to vector<256x128xf32>
    %get3A_127 = arith.constant 9 : index
    %get3A_128 = arith.constant 0 : index
    %get3A_129 = arith.constant 0 : index
    %get3A_130 = vector.load %arg3[%get3A_127, %get3A_128, %get3A_129] : memref<26x128x16xf32, #tpu.memory_space<vmem>>, vector<1x128x16xf32>
    %get3A_131 = vector.shape_cast %get3A_130 : vector<1x128x16xf32> to vector<128x16xf32>
    %dot_general3A_132 = arith.constant dense<0.000000e+00> : vector<256x16xf32>
    %dot_general3A_133 = tpu.matmul %get3A_126, %get3A_131, %dot_general3A_132 {dimension_numbers = #tpu.dot_dimension_numbers<[1], [0], [0], [1], [0, 0, 1, 1], [], []>, transpose_lhs_hint = false} : vector<256x128xf32>, vector<128x16xf32>, vector<256x16xf32> -> vector<256x16xf32>
    %add3A_134 = arith.addf %add3A_121, %dot_general3A_133 : vector<256x16xf32>
    %get3A_135 = arith.constant 10 : index
    %get3A_136 = arith.constant 0 : index
    %get3A_137 = arith.constant 0 : index
    %get3A_138 = vector.load %arg1[%get3A_135, %get3A_136, %get3A_137] : memref<26x256x128xf32, #tpu.memory_space<vmem>>, vector<1x256x128xf32>
    %get3A_139 = vector.shape_cast %get3A_138 : vector<1x256x128xf32> to vector<256x128xf32>
    %get3A_140 = arith.constant 10 : index
    %get3A_141 = arith.constant 0 : index
    %get3A_142 = arith.constant 0 : index
    %get3A_143 = vector.load %arg3[%get3A_140, %get3A_141, %get3A_142] : memref<26x128x16xf32, #tpu.memory_space<vmem>>, vector<1x128x16xf32>
    %get3A_144 = vector.shape_cast %get3A_143 : vector<1x128x16xf32> to vector<128x16xf32>
    %dot_general3A_145 = arith.constant dense<0.000000e+00> : vector<256x16xf32>
    %dot_general3A_146 = tpu.matmul %get3A_139, %get3A_144, %dot_general3A_145 {dimension_numbers = #tpu.dot_dimension_numbers<[1], [0], [0], [1], [0, 0, 1, 1], [], []>, transpose_lhs_hint = false} : vector<256x128xf32>, vector<128x16xf32>, vector<256x16xf32> -> vector<256x16xf32>
    %add3A_147 = arith.addf %add3A_134, %dot_general3A_146 : vector<256x16xf32>
    %get3A_148 = arith.constant 11 : index
    %get3A_149 = arith.constant 0 : index
    %get3A_150 = arith.constant 0 : index
    %get3A_151 = vector.load %arg1[%get3A_148, %get3A_149, %get3A_150] : memref<26x256x128xf32, #tpu.memory_space<vmem>>, vector<1x256x128xf32>
    %get3A_152 = vector.shape_cast %get3A_151 : vector<1x256x128xf32> to vector<256x128xf32>
    %get3A_153 = arith.constant 11 : index
    %get3A_154 = arith.constant 0 : index
    %get3A_155 = arith.constant 0 : index
    %get3A_156 = vector.load %arg3[%get3A_153, %get3A_154, %get3A_155] : memref<26x128x16xf32, #tpu.memory_space<vmem>>, vector<1x128x16xf32>
    %get3A_157 = vector.shape_cast %get3A_156 : vector<1x128x16xf32> to vector<128x16xf32>
    %dot_general3A_158 = arith.constant dense<0.000000e+00> : vector<256x16xf32>
    %dot_general3A_159 = tpu.matmul %get3A_152, %get3A_157, %dot_general3A_158 {dimension_numbers = #tpu.dot_dimension_numbers<[1], [0], [0], [1], [0, 0, 1, 1], [], []>, transpose_lhs_hint = false} : vector<256x128xf32>, vector<128x16xf32>, vector<256x16xf32> -> vector<256x16xf32>
    %add3A_160 = arith.addf %add3A_147, %dot_general3A_159 : vector<256x16xf32>
    %get3A_161 = arith.constant 12 : index
    %get3A_162 = arith.constant 0 : index
    %get3A_163 = arith.constant 0 : index
    %get3A_164 = vector.load %arg1[%get3A_161, %get3A_162, %get3A_163] : memref<26x256x128xf32, #tpu.memory_space<vmem>>, vector<1x256x128xf32>
    %get3A_165 = vector.shape_cast %get3A_164 : vector<1x256x128xf32> to vector<256x128xf32>
    %get3A_166 = arith.constant 12 : index
    %get3A_167 = arith.constant 0 : index
    %get3A_168 = arith.constant 0 : index
    %get3A_169 = vector.load %arg3[%get3A_166, %get3A_167, %get3A_168] : memref<26x128x16xf32, #tpu.memory_space<vmem>>, vector<1x128x16xf32>
    %get3A_170 = vector.shape_cast %get3A_169 : vector<1x128x16xf32> to vector<128x16xf32>
    %dot_general3A_171 = arith.constant dense<0.000000e+00> : vector<256x16xf32>
    %dot_general3A_172 = tpu.matmul %get3A_165, %get3A_170, %dot_general3A_171 {dimension_numbers = #tpu.dot_dimension_numbers<[1], [0], [0], [1], [0, 0, 1, 1], [], []>, transpose_lhs_hint = false} : vector<256x128xf32>, vector<128x16xf32>, vector<256x16xf32> -> vector<256x16xf32>
    %add3A_173 = arith.addf %add3A_160, %dot_general3A_172 : vector<256x16xf32>
    %get3A_174 = arith.constant 13 : index
    %get3A_175 = arith.constant 0 : index
    %get3A_176 = arith.constant 0 : index
    %get3A_177 = vector.load %arg1[%get3A_174, %get3A_175, %get3A_176] : memref<26x256x128xf32, #tpu.memory_space<vmem>>, vector<1x256x128xf32>
    %get3A_178 = vector.shape_cast %get3A_177 : vector<1x256x128xf32> to vector<256x128xf32>
    %get3A_179 = arith.constant 13 : index
    %get3A_180 = arith.constant 0 : index
    %get3A_181 = arith.constant 0 : index
    %get3A_182 = vector.load %arg3[%get3A_179, %get3A_180, %get3A_181] : memref<26x128x16xf32, #tpu.memory_space<vmem>>, vector<1x128x16xf32>
    %get3A_183 = vector.shape_cast %get3A_182 : vector<1x128x16xf32> to vector<128x16xf32>
    %dot_general3A_184 = arith.constant dense<0.000000e+00> : vector<256x16xf32>
    %dot_general3A_185 = tpu.matmul %get3A_178, %get3A_183, %dot_general3A_184 {dimension_numbers = #tpu.dot_dimension_numbers<[1], [0], [0], [1], [0, 0, 1, 1], [], []>, transpose_lhs_hint = false} : vector<256x128xf32>, vector<128x16xf32>, vector<256x16xf32> -> vector<256x16xf32>
    %add3A_186 = arith.addf %add3A_173, %dot_general3A_185 : vector<256x16xf32>
    %get3A_187 = arith.constant 14 : index
    %get3A_188 = arith.constant 0 : index
    %get3A_189 = arith.constant 0 : index
    %get3A_190 = vector.load %arg1[%get3A_187, %get3A_188, %get3A_189] : memref<26x256x128xf32, #tpu.memory_space<vmem>>, vector<1x256x128xf32>
    %get3A_191 = vector.shape_cast %get3A_190 : vector<1x256x128xf32> to vector<256x128xf32>
    %get3A_192 = arith.constant 14 : index
    %get3A_193 = arith.constant 0 : index
    %get3A_194 = arith.constant 0 : index
    %get3A_195 = vector.load %arg3[%get3A_192, %get3A_193, %get3A_194] : memref<26x128x16xf32, #tpu.memory_space<vmem>>, vector<1x128x16xf32>
    %get3A_196 = vector.shape_cast %get3A_195 : vector<1x128x16xf32> to vector<128x16xf32>
    %dot_general3A_197 = arith.constant dense<0.000000e+00> : vector<256x16xf32>
    %dot_general3A_198 = tpu.matmul %get3A_191, %get3A_196, %dot_general3A_197 {dimension_numbers = #tpu.dot_dimension_numbers<[1], [0], [0], [1], [0, 0, 1, 1], [], []>, transpose_lhs_hint = false} : vector<256x128xf32>, vector<128x16xf32>, vector<256x16xf32> -> vector<256x16xf32>
    %add3A_199 = arith.addf %add3A_186, %dot_general3A_198 : vector<256x16xf32>
    %get3A_200 = arith.constant 15 : index
    %get3A_201 = arith.constant 0 : index
    %get3A_202 = arith.constant 0 : index
    %get3A_203 = vector.load %arg1[%get3A_200, %get3A_201, %get3A_202] : memref<26x256x128xf32, #tpu.memory_space<vmem>>, vector<1x256x128xf32>
    %get3A_204 = vector.shape_cast %get3A_203 : vector<1x256x128xf32> to vector<256x128xf32>
    %get3A_205 = arith.constant 15 : index
    %get3A_206 = arith.constant 0 : index
    %get3A_207 = arith.constant 0 : index
    %get3A_208 = vector.load %arg3[%get3A_205, %get3A_206, %get3A_207] : memref<26x128x16xf32, #tpu.memory_space<vmem>>, vector<1x128x16xf32>
    %get3A_209 = vector.shape_cast %get3A_208 : vector<1x128x16xf32> to vector<128x16xf32>
    %dot_general3A_210 = arith.constant dense<0.000000e+00> : vector<256x16xf32>
    %dot_general3A_211 = tpu.matmul %get3A_204, %get3A_209, %dot_general3A_210 {dimension_numbers = #tpu.dot_dimension_numbers<[1], [0], [0], [1], [0, 0, 1, 1], [], []>, transpose_lhs_hint = false} : vector<256x128xf32>, vector<128x16xf32>, vector<256x16xf32> -> vector<256x16xf32>
    %add3A_212 = arith.addf %add3A_199, %dot_general3A_211 : vector<256x16xf32>
    %get3A_213 = arith.constant 16 : index
    %get3A_214 = arith.constant 0 : index
    %get3A_215 = arith.constant 0 : index
    %get3A_216 = vector.load %arg1[%get3A_213, %get3A_214, %get3A_215] : memref<26x256x128xf32, #tpu.memory_space<vmem>>, vector<1x256x128xf32>
    %get3A_217 = vector.shape_cast %get3A_216 : vector<1x256x128xf32> to vector<256x128xf32>
    %get3A_218 = arith.constant 16 : index
    %get3A_219 = arith.constant 0 : index
    %get3A_220 = arith.constant 0 : index
    %get3A_221 = vector.load %arg3[%get3A_218, %get3A_219, %get3A_220] : memref<26x128x16xf32, #tpu.memory_space<vmem>>, vector<1x128x16xf32>
    %get3A_222 = vector.shape_cast %get3A_221 : vector<1x128x16xf32> to vector<128x16xf32>
    %dot_general3A_223 = arith.constant dense<0.000000e+00> : vector<256x16xf32>
    %dot_general3A_224 = tpu.matmul %get3A_217, %get3A_222, %dot_general3A_223 {dimension_numbers = #tpu.dot_dimension_numbers<[1], [0], [0], [1], [0, 0, 1, 1], [], []>, transpose_lhs_hint = false} : vector<256x128xf32>, vector<128x16xf32>, vector<256x16xf32> -> vector<256x16xf32>
    %add3A_225 = arith.addf %add3A_212, %dot_general3A_224 : vector<256x16xf32>
    %get3A_226 = arith.constant 17 : index
    %get3A_227 = arith.constant 0 : index
    %get3A_228 = arith.constant 0 : index
    %get3A_229 = vector.load %arg1[%get3A_226, %get3A_227, %get3A_228] : memref<26x256x128xf32, #tpu.memory_space<vmem>>, vector<1x256x128xf32>
    %get3A_230 = vector.shape_cast %get3A_229 : vector<1x256x128xf32> to vector<256x128xf32>
    %get3A_231 = arith.constant 17 : index
    %get3A_232 = arith.constant 0 : index
    %get3A_233 = arith.constant 0 : index
    %get3A_234 = vector.load %arg3[%get3A_231, %get3A_232, %get3A_233] : memref<26x128x16xf32, #tpu.memory_space<vmem>>, vector<1x128x16xf32>
    %get3A_235 = vector.shape_cast %get3A_234 : vector<1x128x16xf32> to vector<128x16xf32>
    %dot_general3A_236 = arith.constant dense<0.000000e+00> : vector<256x16xf32>
    %dot_general3A_237 = tpu.matmul %get3A_230, %get3A_235, %dot_general3A_236 {dimension_numbers = #tpu.dot_dimension_numbers<[1], [0], [0], [1], [0, 0, 1, 1], [], []>, transpose_lhs_hint = false} : vector<256x128xf32>, vector<128x16xf32>, vector<256x16xf32> -> vector<256x16xf32>
    %add3A_238 = arith.addf %add3A_225, %dot_general3A_237 : vector<256x16xf32>
    %get3A_239 = arith.constant 18 : index
    %get3A_240 = arith.constant 0 : index
    %get3A_241 = arith.constant 0 : index
    %get3A_242 = vector.load %arg1[%get3A_239, %get3A_240, %get3A_241] : memref<26x256x128xf32, #tpu.memory_space<vmem>>, vector<1x256x128xf32>
    %get3A_243 = vector.shape_cast %get3A_242 : vector<1x256x128xf32> to vector<256x128xf32>
    %get3A_244 = arith.constant 18 : index
    %get3A_245 = arith.constant 0 : index
    %get3A_246 = arith.constant 0 : index
    %get3A_247 = vector.load %arg3[%get3A_244, %get3A_245, %get3A_246] : memref<26x128x16xf32, #tpu.memory_space<vmem>>, vector<1x128x16xf32>
    %get3A_248 = vector.shape_cast %get3A_247 : vector<1x128x16xf32> to vector<128x16xf32>
    %dot_general3A_249 = arith.constant dense<0.000000e+00> : vector<256x16xf32>
    %dot_general3A_250 = tpu.matmul %get3A_243, %get3A_248, %dot_general3A_249 {dimension_numbers = #tpu.dot_dimension_numbers<[1], [0], [0], [1], [0, 0, 1, 1], [], []>, transpose_lhs_hint = false} : vector<256x128xf32>, vector<128x16xf32>, vector<256x16xf32> -> vector<256x16xf32>
    %add3A_251 = arith.addf %add3A_238, %dot_general3A_250 : vector<256x16xf32>
    %get3A_252 = arith.constant 19 : index
    %get3A_253 = arith.constant 0 : index
    %get3A_254 = arith.constant 0 : index
    %get3A_255 = vector.load %arg1[%get3A_252, %get3A_253, %get3A_254] : memref<26x256x128xf32, #tpu.memory_space<vmem>>, vector<1x256x128xf32>
    %get3A_256 = vector.shape_cast %get3A_255 : vector<1x256x128xf32> to vector<256x128xf32>
    %get3A_257 = arith.constant 19 : index
    %get3A_258 = arith.constant 0 : index
    %get3A_259 = arith.constant 0 : index
    %get3A_260 = vector.load %arg3[%get3A_257, %get3A_258, %get3A_259] : memref<26x128x16xf32, #tpu.memory_space<vmem>>, vector<1x128x16xf32>
    %get3A_261 = vector.shape_cast %get3A_260 : vector<1x128x16xf32> to vector<128x16xf32>
    %dot_general3A_262 = arith.constant dense<0.000000e+00> : vector<256x16xf32>
    %dot_general3A_263 = tpu.matmul %get3A_256, %get3A_261, %dot_general3A_262 {dimension_numbers = #tpu.dot_dimension_numbers<[1], [0], [0], [1], [0, 0, 1, 1], [], []>, transpose_lhs_hint = false} : vector<256x128xf32>, vector<128x16xf32>, vector<256x16xf32> -> vector<256x16xf32>
    %add3A_264 = arith.addf %add3A_251, %dot_general3A_263 : vector<256x16xf32>
    %get3A_265 = arith.constant 20 : index
    %get3A_266 = arith.constant 0 : index
    %get3A_267 = arith.constant 0 : index
    %get3A_268 = vector.load %arg1[%get3A_265, %get3A_266, %get3A_267] : memref<26x256x128xf32, #tpu.memory_space<vmem>>, vector<1x256x128xf32>
    %get3A_269 = vector.shape_cast %get3A_268 : vector<1x256x128xf32> to vector<256x128xf32>
    %get3A_270 = arith.constant 20 : index
    %get3A_271 = arith.constant 0 : index
    %get3A_272 = arith.constant 0 : index
    %get3A_273 = vector.load %arg3[%get3A_270, %get3A_271, %get3A_272] : memref<26x128x16xf32, #tpu.memory_space<vmem>>, vector<1x128x16xf32>
    %get3A_274 = vector.shape_cast %get3A_273 : vector<1x128x16xf32> to vector<128x16xf32>
    %dot_general3A_275 = arith.constant dense<0.000000e+00> : vector<256x16xf32>
    %dot_general3A_276 = tpu.matmul %get3A_269, %get3A_274, %dot_general3A_275 {dimension_numbers = #tpu.dot_dimension_numbers<[1], [0], [0], [1], [0, 0, 1, 1], [], []>, transpose_lhs_hint = false} : vector<256x128xf32>, vector<128x16xf32>, vector<256x16xf32> -> vector<256x16xf32>
    %add3A_277 = arith.addf %add3A_264, %dot_general3A_276 : vector<256x16xf32>
    %get3A_278 = arith.constant 21 : index
    %get3A_279 = arith.constant 0 : index
    %get3A_280 = arith.constant 0 : index
    %get3A_281 = vector.load %arg1[%get3A_278, %get3A_279, %get3A_280] : memref<26x256x128xf32, #tpu.memory_space<vmem>>, vector<1x256x128xf32>
    %get3A_282 = vector.shape_cast %get3A_281 : vector<1x256x128xf32> to vector<256x128xf32>
    %get3A_283 = arith.constant 21 : index
    %get3A_284 = arith.constant 0 : index
    %get3A_285 = arith.constant 0 : index
    %get3A_286 = vector.load %arg3[%get3A_283, %get3A_284, %get3A_285] : memref<26x128x16xf32, #tpu.memory_space<vmem>>, vector<1x128x16xf32>
    %get3A_287 = vector.shape_cast %get3A_286 : vector<1x128x16xf32> to vector<128x16xf32>
    %dot_general3A_288 = arith.constant dense<0.000000e+00> : vector<256x16xf32>
    %dot_general3A_289 = tpu.matmul %get3A_282, %get3A_287, %dot_general3A_288 {dimension_numbers = #tpu.dot_dimension_numbers<[1], [0], [0], [1], [0, 0, 1, 1], [], []>, transpose_lhs_hint = false} : vector<256x128xf32>, vector<128x16xf32>, vector<256x16xf32> -> vector<256x16xf32>
    %add3A_290 = arith.addf %add3A_277, %dot_general3A_289 : vector<256x16xf32>
    %get3A_291 = arith.constant 22 : index
    %get3A_292 = arith.constant 0 : index
    %get3A_293 = arith.constant 0 : index
    %get3A_294 = vector.load %arg1[%get3A_291, %get3A_292, %get3A_293] : memref<26x256x128xf32, #tpu.memory_space<vmem>>, vector<1x256x128xf32>
    %get3A_295 = vector.shape_cast %get3A_294 : vector<1x256x128xf32> to vector<256x128xf32>
    %get3A_296 = arith.constant 22 : index
    %get3A_297 = arith.constant 0 : index
    %get3A_298 = arith.constant 0 : index
    %get3A_299 = vector.load %arg3[%get3A_296, %get3A_297, %get3A_298] : memref<26x128x16xf32, #tpu.memory_space<vmem>>, vector<1x128x16xf32>
    %get3A_300 = vector.shape_cast %get3A_299 : vector<1x128x16xf32> to vector<128x16xf32>
    %dot_general3A_301 = arith.constant dense<0.000000e+00> : vector<256x16xf32>
    %dot_general3A_302 = tpu.matmul %get3A_295, %get3A_300, %dot_general3A_301 {dimension_numbers = #tpu.dot_dimension_numbers<[1], [0], [0], [1], [0, 0, 1, 1], [], []>, transpose_lhs_hint = false} : vector<256x128xf32>, vector<128x16xf32>, vector<256x16xf32> -> vector<256x16xf32>
    %add3A_303 = arith.addf %add3A_290, %dot_general3A_302 : vector<256x16xf32>
    %get3A_304 = arith.constant 23 : index
    %get3A_305 = arith.constant 0 : index
    %get3A_306 = arith.constant 0 : index
    %get3A_307 = vector.load %arg1[%get3A_304, %get3A_305, %get3A_306] : memref<26x256x128xf32, #tpu.memory_space<vmem>>, vector<1x256x128xf32>
    %get3A_308 = vector.shape_cast %get3A_307 : vector<1x256x128xf32> to vector<256x128xf32>
    %get3A_309 = arith.constant 23 : index
    %get3A_310 = arith.constant 0 : index
    %get3A_311 = arith.constant 0 : index
    %get3A_312 = vector.load %arg3[%get3A_309, %get3A_310, %get3A_311] : memref<26x128x16xf32, #tpu.memory_space<vmem>>, vector<1x128x16xf32>
    %get3A_313 = vector.shape_cast %get3A_312 : vector<1x128x16xf32> to vector<128x16xf32>
    %dot_general3A_314 = arith.constant dense<0.000000e+00> : vector<256x16xf32>
    %dot_general3A_315 = tpu.matmul %get3A_308, %get3A_313, %dot_general3A_314 {dimension_numbers = #tpu.dot_dimension_numbers<[1], [0], [0], [1], [0, 0, 1, 1], [], []>, transpose_lhs_hint = false} : vector<256x128xf32>, vector<128x16xf32>, vector<256x16xf32> -> vector<256x16xf32>
    %add3A_316 = arith.addf %add3A_303, %dot_general3A_315 : vector<256x16xf32>
    %get3A_317 = arith.constant 24 : index
    %get3A_318 = arith.constant 0 : index
    %get3A_319 = arith.constant 0 : index
    %get3A_320 = vector.load %arg1[%get3A_317, %get3A_318, %get3A_319] : memref<26x256x128xf32, #tpu.memory_space<vmem>>, vector<1x256x128xf32>
    %get3A_321 = vector.shape_cast %get3A_320 : vector<1x256x128xf32> to vector<256x128xf32>
    %get3A_322 = arith.constant 24 : index
    %get3A_323 = arith.constant 0 : index
    %get3A_324 = arith.constant 0 : index
    %get3A_325 = vector.load %arg3[%get3A_322, %get3A_323, %get3A_324] : memref<26x128x16xf32, #tpu.memory_space<vmem>>, vector<1x128x16xf32>
    %get3A_326 = vector.shape_cast %get3A_325 : vector<1x128x16xf32> to vector<128x16xf32>
    %dot_general3A_327 = arith.constant dense<0.000000e+00> : vector<256x16xf32>
    %dot_general3A_328 = tpu.matmul %get3A_321, %get3A_326, %dot_general3A_327 {dimension_numbers = #tpu.dot_dimension_numbers<[1], [0], [0], [1], [0, 0, 1, 1], [], []>, transpose_lhs_hint = false} : vector<256x128xf32>, vector<128x16xf32>, vector<256x16xf32> -> vector<256x16xf32>
    %add3A_329 = arith.addf %add3A_316, %dot_general3A_328 : vector<256x16xf32>
    %get3A_330 = arith.constant 25 : index
    %get3A_331 = arith.constant 0 : index
    %get3A_332 = arith.constant 0 : index
    %get3A_333 = vector.load %arg1[%get3A_330, %get3A_331, %get3A_332] : memref<26x256x128xf32, #tpu.memory_space<vmem>>, vector<1x256x128xf32>
    %get3A_334 = vector.shape_cast %get3A_333 : vector<1x256x128xf32> to vector<256x128xf32>
    %get3A_335 = arith.constant 25 : index
    %get3A_336 = arith.constant 0 : index
    %get3A_337 = arith.constant 0 : index
    %get3A_338 = vector.load %arg3[%get3A_335, %get3A_336, %get3A_337] : memref<26x128x16xf32, #tpu.memory_space<vmem>>, vector<1x128x16xf32>
    %get3A_339 = vector.shape_cast %get3A_338 : vector<1x128x16xf32> to vector<128x16xf32>
    %dot_general3A_340 = arith.constant dense<0.000000e+00> : vector<256x16xf32>
    %dot_general3A_341 = tpu.matmul %get3A_334, %get3A_339, %dot_general3A_340 {dimension_numbers = #tpu.dot_dimension_numbers<[1], [0], [0], [1], [0, 0, 1, 1], [], []>, transpose_lhs_hint = false} : vector<256x128xf32>, vector<128x16xf32>, vector<256x16xf32> -> vector<256x16xf32>
    %add3A_342 = arith.addf %add3A_329, %dot_general3A_341 : vector<256x16xf32>
    %get3A_343 = arith.constant 0 : index
    %get3A_344 = arith.constant 0 : index
    %get3A_345 = vector.load %arg5[%get3A_343, %get3A_344] : memref<1x16xf32, #tpu.memory_space<vmem>>, vector<1x16xf32>
    %add3A_346 = vector.broadcast %get3A_345 : vector<1x16xf32> to vector<256x16xf32>
    %add3A_347 = arith.addf %add3A_342, %add3A_346 : vector<256x16xf32>
    %swap3A = arith.constant 0 : index
    %swap3A_348 = arith.constant 0 : index
    %swap3A_349 = vector.load %arg6[%swap3A, %swap3A_348] : memref<256x16xf32, #tpu.memory_space<vmem>>, vector<256x16xf32>
    tpu.vector_store %arg6[%swap3A, %swap3A_348], %add3A_347 {strides = array<i32>} : memref<256x16xf32, #tpu.memory_space<vmem>>, vector<256x16xf32>,
    return
  }
  func.func @transform_0(%arg0: i32) -> (i32, i32, i32) {
    %c0_i32 = arith.constant 0 : i32
    %c0_i32_0 = arith.constant 0 : i32
    %c0_i32_1 = arith.constant 0 : i32
    return %c0_i32, %arg0, %c0_i32_0 : i32, i32, i32
  }
  func.func @transform_1(%arg0: i32) -> (i32, i32) {
    %c0_i32 = arith.constant 0 : i32
    %c0_i32_0 = arith.constant 0 : i32
    return %arg0, %c0_i32 : i32, i32
  }
  func.func @transform_2(%arg0: i32) -> (i32, i32, i32) {
    %c0_i32 = arith.constant 0 : i32
    %c0_i32_0 = arith.constant 0 : i32
    %c0_i32_1 = arith.constant 0 : i32
    %c0_i32_2 = arith.constant 0 : i32
    return %c0_i32, %c0_i32_0, %c0_i32_1 : i32, i32, i32
  }
  func.func @transform_3(%arg0: i32) -> (i32, i32) {
    %c0_i32 = arith.constant 0 : i32
    %c0_i32_0 = arith.constant 0 : i32
    %c0_i32_1 = arith.constant 0 : i32
    return %c0_i32, %c0_i32_0 : i32, i32
  }
  func.func @transform_4(%arg0: i32) -> (i32, i32) {
    %c0_i32 = arith.constant 0 : i32
    %c0_i32_0 = arith.constant 0 : i32
    %c0_i32_1 = arith.constant 0 : i32
    return %c0_i32, %c0_i32_0 : i32, i32
  }
  func.func @transform_5(%arg0: i32) -> (i32, i32) {
    %c0_i32 = arith.constant 0 : i32
    %c0_i32_0 = arith.constant 0 : i32
    return %arg0, %c0_i32 : i32, i32
  }
}

</mosaic_0001>

<sc_bundles>
// kernel: kernel.4.cloned.1.call-start
scs
__scs_entry_jumppad:
0x0: {  	(pc) =	sbr.rel $0x88, $3  }
0x1: {  	(tag) =	ssettag $0x0;
	lr =	simm.s32 $0x1  }
0x2: {  	[smem:$0x3F9C] =	sst lr;
	_ =	strace $0xD0000000  }
0x3: {  	_ = 	snop  }
0x4: {  	_ = 	snop  }
0x5: {  	_ = 	snop  }
0x6: {  	_ = 	snop  }
0x7: {  	_ = 	snop  }
__scs_overlays_trampoline_lowered:
0x8: {  	[smem:$0x3FAB] =	sst s0  }
0x9: {  	[smem:$0x3FAC] =	sst s1  }
0xa: {  	[smem:$0x3FAD] =	sst s2  }
0xb: {  	[smem:$0x3FAE] =	sst s3  }
0xc: {  	[smem:$0x3FAF] =	sst s4  }
0xd: {  	[smem:$0x3FB0] =	sst s5  }
0xe: {  	[smem:$0x3FB1] =	sst s6  }
0xf: {  	[smem:$0x3FB2] =	sst s7  }
0x10: {  	[smem:$0x3FB3] =	sst s8  }
0x11: {  	[smem:$0x3FB4] =	sst s9;
	s0 =	simm.s32 @!p0 $0x0  }
0x12: {  	s1 =	sld [smem:$0x3F9A];
	s0 =	simm.s32 @p0 $0x1  }
0x13: {  	[smem:$0x3FB5] =	sst s0;
	s0 =	simm.s32 @!p1 $0x0  }
0x14: {  	s2 =	sld [smem:$0x3F99];
	s0 =	simm.s32 @p1 $0x1  }
0x15: {  	[smem:$0x3FB6] =	sst s0;
	s0 =	simm.s32 @!p2 $0x0  }
0x16: {  	s3 =	sld [smem:$0x3FDB];
	s0 =	simm.s32 @p2 $0x1  }
0x17: {  	s4 =	simm.s32 $0x1BF5;
	[smem:$0x3FB8] =	sst s0  }
0x18: {  	s0 =	sld [smem:$0x3F9B];
	_ =	swait.ge [sflag:s4], $0x0  }
0x19: {  	s7 =	sld [smem:$0x3F9C]  }
0x1a: {  	s8 =	sadd.s32 $0xFFFFE003, lr  }
0x1b: {  	s9 =	sadd.s32 $0xFFFFFEF7, lr;
	s5 =	simm.s32 $0xFFFFFFFF;
	p2 =	slt.u32 s8, $0xFFFFF086  }
0x1c: {  	p1 =	slt.u32 s9, $0xF7A;
	s5 =	simm.s32 @!p2 $0x0  }
0x1d: {  	s5 =	simm.s32 @p1 $0x1;
	p0 =	seq.s32 s7, s2  }
0x1e: {  	s7 =	smul.u32 @!p0 $0xF7A, s2;
	p2 =	seq.s32 @!p0 s5, $0x0  }
0x1f: {  	s9 =	smul.u32 $0xF7A, s1;
	s8 =	simm.s32 @!p0 $0x1BF5;
	p2 =	por !p2, p0  }
0x20: {  	[sflag:s8] =	ssyncset.s32 @!p0 $0xFFFFF086;
	s6 =	sadd.s32 @!p0 s3, s7;
	s7 =	simm.s32 @!p0 $0x108  }
0x21: {  	s3 =	sadd.s32 s3, s9;
	s6 =	sadd.s32 @!p0 $0x88, s6;
	s7 =	simm.s32 @p2 $0x1082  }
0x22: {  	[simem:s7], [sflag:s8] =	dma.local @!p0 [hbm:s6], $0xF7A  }
0x23: {  	s9 =	sor.u32 $0xD0000000, s2;
	s6 =	simm.s32 $0x108;
	_ =	swait.ge @!p0 [sflag:s8], $0x0  }
0x24: {  	s3 =	sadd.s32 $0x88, s3;
	s6 =	simm.s32 @!p1 $0x1082;
	[sflag:s4] =	ssyncset.s32 $0xFFFFF086  }
0x25: {  	[simem:s6], [sflag:s4] =	dma.local [hbm:s3], $0xF7A  }
0x26: {  	[smem:$0x3F9C] =	sst s1;
	(tag) =	ssettag s2;
	_ =	strace s9  }
0x27: {  	s1 =	sld [smem:$0x3FAC]  }
0x28: {  	s2 =	sld [smem:$0x3FAD]  }
0x29: {  	s4 =	sld [smem:$0x3FAF]  }
0x2a: {  	p0 =	seq.s32 s5, $0x0;
	s5 =	sld [smem:$0x3FB0]  }
0x2b: {  	s6 =	sld [smem:$0x3FB1]  }
0x2c: {  	s7 =	sld [smem:$0x3FB2]  }
0x2d: {  	s3 =	simm.s32 $0x108;
	s8 =	sld [smem:$0x3FB3]  }
0x2e: {  	s3 =	simm.s32 @!p0 $0x1082;
	s9 =	sld [smem:$0x3FB4]  }
0x2f: {  	lr =	sadd.s32 s0, s3;
	s0 =	sld [smem:$0x3FAB]  }
0x30: {  	s3 =	sld [smem:$0x3FAE]  }
0x31: {  	[smem:$0x3FB7] =	sst s10  }
0x32: {  	s10 =	sld [smem:$0x3FB5];
	_ =	sdelay $0x3  }
0x33: {  	p0 =	seq.s32 s10, $0x1;
	s10 =	sld [smem:$0x3FB7];
	_ =	sdelay $0x3  }
0x34: {  	[smem:$0x3FB7] =	sst s10  }
0x35: {  	s10 =	sld [smem:$0x3FB6];
	_ =	sdelay $0x3  }
0x36: {  	p1 =	seq.s32 s10, $0x1;
	s10 =	sld [smem:$0x3FB7];
	_ =	sdelay $0x3  }
0x37: {  	[smem:$0x3FB7] =	sst s10  }
0x38: {  	s10 =	sld [smem:$0x3FB8]  }
0x39: {  	_ = 	snop;
	(pc) =	sbr.ind lr, $3  }
0x3a: {  	_ = 	snop  }
0x3b: {  	_ = 	snop  }
0x3c: {  	p2 =	seq.s32 s10, $0x1;
	s10 =	sld [smem:$0x3FB7]  }
0x3d: {  	_ =	shalt  }
0x3e: {  	_ =	shalt  }
0x3f: {  	_ =	shalt  }
0x40: {  	_ =	shalt  }
0x41: {  	_ =	shalt  }
0x42: {  	_ =	shalt  }
0x43: {  	_ =	shalt  }
0x44: {  	_ =	shalt  }
0x45: {  	_ =	shalt  }
0x46: {  	_ =	shalt  }
0x47: {  	_ =	shalt  }
0x48: {  	_ =	shalt  }
0x49: {  	_ =	shalt  }
0x4a: {  	_ =	shalt  }
0x4b: {  	_ =	shalt  }
0x4c: {  	_ =	shalt  }
0x4d: {  	_ =	shalt  }
0x4e: {  	_ =	shalt  }
0x4f: {  	_ =	shalt  }
0x50: {  	_ =	shalt  }
0x51: {  	_ =	shalt  }
0x52: {  	_ =	shalt  }
0x53: {  	_ =	shalt  }
0x54: {  	_ =	shalt  }
0x55: {  	_ =	shalt  }
0x56: {  	_ =	shalt  }
0x57: {  	_ =	shalt  }
0x58: {  	_ =	shalt  }
0x59: {  	_ =	shalt  }
0x5a: {  	_ =	shalt  }
0x5b: {  	_ =	shalt  }
0x5c: {  	_ =	shalt  }
0x5d: {  	_ =	shalt  }
0x5e: {  	_ =	shalt  }
0x5f: {  	_ =	shalt  }
0x60: {  	_ =	shalt  }
0x61: {  	_ =	shalt  }
0x62: {  	_ =	shalt  }
0x63: {  	_ =	shalt  }
0x64: {  	_ =	shalt  }
0x65: {  	_ =	shalt  }
0x66: {  	_ =	shalt  }
0x67: {  	_ =	shalt  }
0x68: {  	_ =	shalt  }
0x69: {  	_ =	shalt  }
0x6a: {  	_ =	shalt  }
0x6b: {  	_ =	shalt  }
0x6c: {  	_ =	shalt  }
0x6d: {  	_ =	shalt  }
0x6e: {  	_ =	shalt  }
0x6f: {  	_ =	shalt  }
0x70: {  	_ =	shalt  }
0x71: {  	_ =	shalt  }
0x72: {  	_ =	shalt  }
0x73: {  	_ =	shalt  }
0x74: {  	_ =	shalt  }
0x75: {  	_ =	shalt  }
0x76: {  	_ =	shalt  }
0x77: {  	_ =	shalt  }
0x78: {  	_ =	shalt  }
0x79: {  	_ =	shalt  }
0x7a: {  	_ =	shalt  }
0x7b: {  	_ =	shalt  }
0x7c: {  	_ =	shalt  }
0x7d: {  	_ =	shalt  }
0x7e: {  	_ =	shalt  }
0x7f: {  	_ =	shalt  }
0x80: {  	_ =	shalt  }
0x81: {  	_ =	shalt  }
0x82: {  	_ =	shalt  }
0x83: {  	_ =	shalt  }
0x84: {  	_ =	shalt  }
0x85: {  	_ =	shalt  }
0x86: {  	_ =	shalt  }
0x87: {  	_ =	shalt  }
.Lfunc_end0:
.L_simem_size_0:
called_computation_lowered:
.L_overlay_start_0:
0x88: {  	s2 =	sld [smem:$0x3FD9]  }
0x89: {  	s3 =	sld [smem:$0x3FFE];
	_ =	sdelay $0x1  }
0x8a: {  	s1 =	srdreg.scid  }
0x8b: {  	s0 =	sand.u32 $0x1, s1  }
0x8c: {  	s16 =	sshll.u32 s0, $0xA;
	s2 =	sadd.s32 s3, s2  }
0x8d: {  	s2 =	sadd.s32 s2, s16  }
0x8e: {  	[smem:$0x3FC3] =	sst s2  }
0x8f: {  	_ = 	snop  }
0x90: {  	(tm) =	ssettm $0x1  }
0x91: {  	s17 =	sld [smem:$0x3FFB];
	_ =	sdelay $0x3  }
0x92: {  	_ =	strace s17  }
0x93: {  	s2 =	sld [smem:$0x3FFC];
	_ =	sdelay $0x3  }
0x94: {  	_ =	strace s2  }
0x95: {  	s2 =	sld [smem:$0x3FFD];
	_ =	sdelay $0x3  }
0x96: {  	_ =	strace s2  }
0x97: {  	_ =	strace $0x8FFFFFFF  }
0x98: {  	s18 =	sld [smem:$0x3FDB];
	_ =	sdelay $0x1  }
0x99: {  	s19 =	simm.s32 $_scs_section_size  }
0x9a: {  	s4 =	simm.s32 $_size__tile_overlayer_lowered;
	s5 =	simm.s32 $_tile_overlayer_lowered  }
0x9b: {  	s22 =	simm.s32 $0x1BFF;
	s21 =	sshll.u32 s5, $0x1;
	s2 =	sadd.s32 s19, s18  }
0x9c: {  	s6 =	simm.s32 $0x0;
	s20 =	sshll.u32 s4, $0x1;
	s4 =	sadd.s32 s21, s2  }
0x9d: {  	[timem:s6], [sflag:s22] =	dma.local [hbm:s4], s20  }
0x9e: {  	_ =	swait.ge [sflag:s22], s20  }
0x9f: {  	s3 =	ssub.s32 $0x0, s20;
	[sflag:s22] =	ssyncset.done $0x0  }
0xa0: {  	[sflag:s22] =	ssyncadd.s32 s3;
	_ =	sdelay $0x1  }
0xa1: {  	s23 =	simm.s32 $0x1B8B  }
0xa2: {  	_ =	swait.ge [sflag:s23], $0x1  }
0xa3: {  	[sflag:s23] =	ssyncset.done $0x0  }
0xa4: {  	s25 =	simm.s32 $0x1B8E;
	s24 =	sld [smem:$0x3FFE];
	[sflag:s23] =	ssyncadd.s32 $0xFFFFFFFF  }
0xa5: {  	s26 =	simm.s32 $execute0_lowered;
	[smem:$0x3FD2] =	sst s25  }
0xa6: {  	s4 =	sshll.u32 s26, $0x1;
	_ =	strace $0x80000046;
	[dreg:$0x1] =	wrdreg $0xFFFFFFFF  }
0xa7: {  	s28 =	simm.s32 $_size_execute0_lowered;
	s2 =	sadd.s32 s2, s4;
	[dreg:$0x0] =	wrdreg $0x0  }
0xa8: {  	s4 =	sshll.u32 s28, $0x1;
	[dreg:$0x2] =	wrdreg s2  }
0xa9: {  	[dreg:$0x3] =	wrdreg s4  }
0xaa: {  	[dreg:$0x4] =	wrdreg $0xC0  }
0xab: {  	_ =	task [dreg:s6], $0x5FFFF  }
0xac: {  	[dreg:$0x1] =	wrdreg $0xFFFFFFFF  }
0xad: {  	[dreg:$0x0] =	wrdreg $0x60  }
0xae: {  	[dreg:$0x2] =	wrdreg s24  }
0xaf: {  	[dreg:$0x3] =	wrdreg $0x9  }
0xb0: {  	_ =	task.clear_ibuf [dreg:s6], $0x4FFFF;
	_ =	strace $0x90000046  }
0xb1: {  	s29 =	simm.s32 $0x9;
	_ =	strace $0x80000048  }
0xb2: {  	_ =	swait.ge [sflag:s29], $0x1  }
0xb3: {  	[sflag:s29] =	ssyncadd.s32 $0xFFFFFFFF  }
0xb4: {  	_ =	strace $0x90000048  }
0xb5: {  	_ =	sfence  }
0xb6: {  	s30 =	sld [smem:$0x0];
	_ =	sdelay $0x2  }
0xb7: {  	s31 =	sshll.u32 s1, $0xD;
	s1 =	sshrl.u32 s1, $0x2  }
0xb8: {  	s3 =	sand.u32 $0x4000, s31;
	s1 =	sadd.s32 s1, s30  }
0xb9: {  	s0 =	sor.u32 s3, s0;
	s1 =	sshll.u32 s1, $0x11  }
0xba: {  	s0 =	sor.u32 s1, s0  }
0xbb: {  	s0 =	sadd.s32 $0x8F2B, s0  }
0xbc: {  	[sflag:s0] =	ssyncadd.remote.s32 $0x1  }
0xbd: {  	_ =	sfence.sel $0xFFFF  }
0xbe: {  	[dreg:$0x0] =	wrdreg $0xFFFFFFFF;
	(pc) =	sbr.abs _section_cstart, $3  }
0xbf: {  	[dreg:$0x1] =	wrdreg $0xFFFFFFFF  }
0xc0: {  	_ =	task.clear_ibuf [dreg:s6], $0x2FFFF;
	_ =	strace $0x9FFFFFFF  }
0xc1: {  	(tm) =	ssettm $0x7FFFFFFF  }
tec
execute0_lowered:
.L_overlay_start_1:
0x0: {  	(tag) =	ssettag $0x1  }
0x1: {  	s1 =	srdreg.scid;
	s3 =	stileid.u32  }
0x2: {  	s1 =	sand.u32 $0x1, s1;
	s4 =	sshll.u32 s3, $0x1  }
0x3: {  	s4 =	sor.u32 s1, s4  }
0x4: {  	s0 =	rddreg [dreg:$0x0];
	s5 =	sshll.u32 s4, $0x6  }
0x5: {  	s2 =	simm.s32 $0x0;
	s5 =	sadd.s32 s5, s0  }
0x6: {  	[smem:$0x7FF] =	sst s2;
	s8 =	sadd.s32 $0xC00, s5  }
0x7: {  	_ =	strace $0x80000047;
	s9 =	sadd.s32 $0x1400, s5;
	[dreg:$0x2] =	wrdreg s8  }
0x8: {  	s10 =	sadd.s32 $0x1C00, s5;
	[dreg:$0x3] =	wrdreg s9  }
0x9: {  	s11 =	sadd.s32 $0x2400, s5;
	[dreg:$0x4] =	wrdreg s10  }
0xa: {  	s12 =	sadd.s32 $0x2C00, s5;
	[dreg:$0x5] =	wrdreg s11  }
0xb: {  	s7 =	simm.s32 $0x6400;
	s13 =	sadd.s32 $0x3400, s5;
	[dreg:$0x6] =	wrdreg s12  }
0xc: {  	s3 =	sadd.s32 $0x27AD000, s0;
	s14 =	sadd.s32 $0x3C00, s5;
	[dreg:$0x7] =	wrdreg s13  }
0xd: {  	s1 =	ssub.s32 $0x2, s1;
	s15 =	sadd.s32 $0x4400, s5;
	[dreg:$0x8] =	wrdreg s14  }
0xe: {  	s4 =	sshll.u32 s4, $0xA;
	s16 =	sadd.s32 $0x4C00, s5;
	[dreg:$0x9] =	wrdreg s15  }
0xf: {  	s6 =	sshrl.u32 s1, $0x1;
	s17 =	sadd.s32 $0x5400, s5;
	[dreg:$0xa] =	wrdreg s16  }
0x10: {  	s0 =	sadd.s32 s4, s0;
	s18 =	sadd.s32 $0x5C00, s5;
	[dreg:$0xb] =	wrdreg s17  }
0x11: {  	s1 =	ssub.s32 s1, s6;
	s19 =	sadd.s32 $0x6400, s5;
	[dreg:$0xc] =	wrdreg s18  }
0x12: {  	s4 =	simm.s32 $0x80;
	s20 =	sadd.s32 $0x6C00, s5;
	[dreg:$0xd] =	wrdreg s19  }
0x13: {  	s6 =	simm.s32 $0x5C00;
	s21 =	sadd.s32 $0x7400, s5;
	[dreg:$0xe] =	wrdreg s20  }
0x14: {  	s22 =	sadd.s32 $0x7C00, s5;
	s23 =	sadd.s32 $0x8400, s5;
	[dreg:$0xf] =	wrdreg s21  }
0x15: {  	s24 =	sadd.s32 $0x8C00, s5;
	s25 =	sadd.s32 $0x9400, s5;
	[dreg:$0x10] =	wrdreg s22  }
0x16: {  	s26 =	sadd.s32 $0x9C00, s5;
	s28 =	sadd.s32 $0xC400, s5;
	[dreg:$0x11] =	wrdreg s23  }
0x17: {  	s29 =	sadd.s32 $0xCC00, s5;
	s30 =	sadd.s32 $0xD400, s5;
	[dreg:$0x12] =	wrdreg s24  }
0x18: {  	s31 =	sadd.s32 $0xDC00, s0;
	s0 =	smax.u32 s1, $0x1;
	[dreg:$0x13] =	wrdreg s25  }
0x19: {  	s1 =	simm.s32 $0x1;
	[dreg:$0x14] =	wrdreg s26;
	s23 =	sadd.s32 $0xA400, s5  }
0x1a: {  	s24 =	sadd.s32 $0xAC00, s5;
	s25 =	sadd.s32 $0xB400, s5;
	s26 =	sadd.s32 $0xBC00, s5  }
0x1b: {  	s5 =	simm.s32 $0x5400;
	s8 =	simm.s32 $0x6C00;
	s9 =	simm.s32 $0x2  }
0x1c: {  	s10 =	simm.s32 $0x7400;
	s11 =	simm.s32 $0x3;
	s12 =	simm.s32 $0x9400  }
0x1d: {  	s13 =	simm.s32 $0x4;
	s14 =	simm.s32 $0x5;
	s15 =	simm.s32 $0x0  }
.LBB2_1:
0x1e: {  	s16 =	rddreg [dreg:$0x2]  }
0x1f: {  	[tilespmem:s2], [sflag:$0x1] =	stream.linear.gather [hbm4b:s16+s2], $0x200, $0x38;
	[tilespmem:$0xB400] =	vst v63  }
0x20: {  	s22 =	rddreg [dreg:$0x3];
	s17 =	simm.s32 $0x200  }
0x21: {  	[tilespmem:s17], [sflag:$0x1] =	stream.linear.gather [hbm4b:s22+s2], $0x200, $0x38;
	[tilespmem:$0xB400] =	vst v63  }
0x22: {  	s18 =	simm.s32 $0x400;
	s17 =	rddreg [dreg:$0x4]  }
0x23: {  	[tilespmem:s18], [sflag:$0x1] =	stream.linear.gather [hbm4b:s17+s2], $0x200, $0x38;
	[tilespmem:$0xB400] =	vst v63  }
0x24: {  	s19 =	rddreg [dreg:$0x5];
	s20 =	simm.s32 $0x600  }
0x25: {  	[tilespmem:s20], [sflag:$0x1] =	stream.linear.gather [hbm4b:s19+s2], $0x200, $0x38;
	[tilespmem:$0xB400] =	vst v63  }
0x26: {  	s21 =	rddreg [dreg:$0x6];
	s22 =	simm.s32 $0x800  }
0x27: {  	[tilespmem:s22], [sflag:$0x1] =	stream.linear.gather [hbm4b:s21+s2], $0x200, $0x38;
	[tilespmem:$0xB400] =	vst v63  }
0x28: {  	s17 =	rddreg [dreg:$0x7];
	s18 =	simm.s32 $0xA00  }
0x29: {  	[tilespmem:s18], [sflag:$0x1] =	stream.linear.gather [hbm4b:s17+s2], $0x200, $0x38;
	[tilespmem:$0xB400] =	vst v63  }
0x2a: {  	s19 =	rddreg [dreg:$0x8];
	s20 =	simm.s32 $0xC00  }
0x2b: {  	[tilespmem:s20], [sflag:$0x1] =	stream.linear.gather [hbm4b:s19+s2], $0x200, $0x38;
	[tilespmem:$0xB400] =	vst v63  }
0x2c: {  	s21 =	rddreg [dreg:$0x9];
	s22 =	simm.s32 $0xE00  }
0x2d: {  	[tilespmem:s22], [sflag:$0x1] =	stream.linear.gather [hbm4b:s21+s2], $0x200, $0x38;
	[tilespmem:$0xB400] =	vst v63  }
0x2e: {  	s17 =	rddreg [dreg:$0xa];
	s18 =	simm.s32 $0x1000  }
0x2f: {  	[tilespmem:s18], [sflag:$0x1] =	stream.linear.gather [hbm4b:s17+s2], $0x200, $0x38;
	[tilespmem:$0xB400] =	vst v63  }
0x30: {  	s19 =	rddreg [dreg:$0xb];
	s20 =	simm.s32 $0x1200  }
0x31: {  	[tilespmem:s20], [sflag:$0x1] =	stream.linear.gather [hbm4b:s19+s2], $0x200, $0x38;
	[tilespmem:$0xB400] =	vst v63  }
0x32: {  	s21 =	rddreg [dreg:$0xc];
	s22 =	simm.s32 $0x1400  }
0x33: {  	[tilespmem:s22], [sflag:$0x1] =	stream.linear.gather [hbm4b:s21+s2], $0x200, $0x38;
	[tilespmem:$0xB400] =	vst v63  }
0x34: {  	s17 =	rddreg [dreg:$0xd];
	s18 =	simm.s32 $0x1600  }
0x35: {  	[tilespmem:s18], [sflag:$0x1] =	stream.linear.gather [hbm4b:s17+s2], $0x200, $0x38;
	[tilespmem:$0xB400] =	vst v63  }
0x36: {  	s19 =	rddreg [dreg:$0xe];
	s20 =	simm.s32 $0x1800  }
0x37: {  	[tilespmem:s20], [sflag:$0x1] =	stream.linear.gather [hbm4b:s19+s2], $0x200, $0x38;
	[tilespmem:$0xB400] =	vst v63  }
0x38: {  	s21 =	rddreg [dreg:$0xf];
	s22 =	simm.s32 $0x1A00  }
0x39: {  	[tilespmem:s22], [sflag:$0x1] =	stream.linear.gather [hbm4b:s21+s2], $0x200, $0x38;
	[tilespmem:$0xB400] =	vst v63  }
0x3a: {  	s17 =	rddreg [dreg:$0x10];
	s18 =	simm.s32 $0x1C00  }
0x3b: {  	[tilespmem:s18], [sflag:$0x1] =	stream.linear.gather [hbm4b:s17+s2], $0x200, $0x38;
	[tilespmem:$0xB400] =	vst v63  }
0x3c: {  	s19 =	rddreg [dreg:$0x11];
	s20 =	simm.s32 $0x1E00  }
0x3d: {  	[tilespmem:s20], [sflag:$0x1] =	stream.linear.gather [hbm4b:s19+s2], $0x200, $0x38;
	[tilespmem:$0xB400] =	vst v63  }
0x3e: {  	s21 =	rddreg [dreg:$0x12];
	s22 =	simm.s32 $0x2000  }
0x3f: {  	[tilespmem:s22], [sflag:$0x1] =	stream.linear.gather [hbm4b:s21+s2], $0x200, $0x38;
	[tilespmem:$0xB400] =	vst v63  }
0x40: {  	s18 =	rddreg [dreg:$0x13];
	s19 =	simm.s32 $0x2200  }
0x41: {  	[tilespmem:s19], [sflag:$0x1] =	stream.linear.gather [hbm4b:s18+s2], $0x200, $0x38;
	[tilespmem:$0xB400] =	vst v63  }
0x42: {  	s20 =	rddreg [dreg:$0x14];
	s21 =	simm.s32 $0x2400  }
0x43: {  	[tilespmem:s21], [sflag:$0x1] =	stream.linear.gather [hbm4b:s20+s2], $0x200, $0x38;
	[tilespmem:$0xB400] =	vst v63  }
0x44: {  	s22 =	simm.s32 $0x2600  }
0x45: {  	[tilespmem:s22], [sflag:$0x1] =	stream.linear.gather [hbm4b:s23+s2], $0x200, $0x38;
	[tilespmem:$0xB400] =	vst v63  }
0x46: {  	s17 =	simm.s32 $0x2800  }
0x47: {  	[tilespmem:s17], [sflag:$0x1] =	stream.linear.gather [hbm4b:s24+s2], $0x200, $0x38;
	[tilespmem:$0xB400] =	vst v63  }
0x48: {  	s18 =	simm.s32 $0x2A00  }
0x49: {  	[tilespmem:s18], [sflag:$0x1] =	stream.linear.gather [hbm4b:s25+s2], $0x200, $0x38;
	[tilespmem:$0xB400] =	vst v63  }
0x4a: {  	s19 =	simm.s32 $0x2C00  }
0x4b: {  	[tilespmem:s19], [sflag:$0x1] =	stream.linear.gather [hbm4b:s26+s2], $0x200, $0x38;
	[tilespmem:$0xB400] =	vst v63  }
0x4c: {  	s20 =	simm.s32 $0x2E00  }
0x4d: {  	[tilespmem:s20], [sflag:$0x1] =	stream.linear.gather [hbm4b:s28+s2], $0x200, $0x38;
	[tilespmem:$0xB400] =	vst v63  }
0x4e: {  	s21 =	simm.s32 $0x3000  }
0x4f: {  	[tilespmem:s21], [sflag:$0x1] =	stream.linear.gather [hbm4b:s29+s2], $0x200, $0x38;
	[tilespmem:$0xB400] =	vst v63  }
0x50: {  	s22 =	simm.s32 $0x3200  }
0x51: {  	[tilespmem:s22], [sflag:$0x1] =	stream.linear.gather [hbm4b:s30+s2], $0x200, $0x38;
	[tilespmem:$0xB400] =	vst v63  }
0x52: {  	_ =	swait.ge [sflag:s1], $0x3400  }
0x53: {  	[sflag:s1] =	ssyncset.done $0x0  }
0x54: {  	s17 =	simm.s32 $0x3400;
	[sflag:s1] =	ssyncadd.s32 $0xFFFFCC00  }
0x55: {  	[tilespmem:s17], [sflag:$0x2] =	stream.indirect.gather [hbm4b:s3+s4], $0x10, s2, s4, $0xb8;
	[tilespmem:$0xB400] =	vst v63  }
0x56: {  	s18 =	simm.s32 $0x3C00  }
0x57: {  	[tilespmem:s18], [sflag:$0x2] =	stream.indirect.gather [hbm4b:s3+s4], $0x10, s4, s4, $0xb8;
	[tilespmem:$0xB400] =	vst v63  }
0x58: {  	s19 =	simm.s32 $0x100;
	s20 =	simm.s32 $0x4400  }
0x59: {  	[tilespmem:s20], [sflag:$0x2] =	stream.indirect.gather [hbm4b:s3+s4], $0x10, s19, s4, $0xb8;
	[tilespmem:$0xB400] =	vst v63  }
0x5a: {  	s16 =	simm.s32 $0x0;
	s21 =	simm.s32 $0x180;
	s22 =	simm.s32 $0x4C00  }
0x5b: {  	[tilespmem:s22], [sflag:$0x2] =	stream.indirect.gather [hbm4b:s3+s4], $0x10, s21, s4, $0xb8;
	[tilespmem:$0xB400] =	vst v63  }
.LBB2_2:
0x5c: {  	s18 =	sshll.u32 s16, $0x1;
	p0 =	seq.s32 s16, $0x0  }
0x5d: {  	s19 =	simm.s32 @!p0 $0x5;
	s17 =	sor.u32 $0x1, s18  }
0x5e: {  	_ =	swait.ge @!p0 [sflag:s19], $0x2000;
	s20 =	smul.u32 $0x30D40, s17  }
0x5f: {  	s21 =	sshll.u32 s17, $0x9;
	[sflag:s19] =	ssyncset.done @!p0 $0x0  }
0x60: {  	[sflag:s19] =	ssyncadd.s32 @!p0 $0xFFFFE000;
	s19 =	sand.u32 $0x3FFFFE00, s21;
	s20 =	sadd.s32 s3, s20  }
0x61: {  	[tilespmem:s5], [sflag:$0x3] =	stream.indirect.gather [hbm4b:s20+s4], $0x10, s19, s4, $0xb8;
	[tilespmem:$0xB400] =	vst v63  }
0x62: {  	s21 =	sor.u32 $0x80, s19  }
0x63: {  	[tilespmem:s6], [sflag:$0x3] =	stream.indirect.gather [hbm4b:s20+s4], $0x10, s21, s4, $0xb8;
	[tilespmem:$0xB400] =	vst v63  }
0x64: {  	s22 =	sor.u32 $0x100, s19  }
0x65: {  	[tilespmem:s7], [sflag:$0x3] =	stream.indirect.gather [hbm4b:s20+s4], $0x10, s22, s4, $0xb8;
	[tilespmem:$0xB400] =	vst v63  }
0x66: {  	s19 =	sor.u32 $0x180, s19  }
0x67: {  	[tilespmem:s8], [sflag:$0x3] =	stream.indirect.gather [hbm4b:s20+s4], $0x10, s19, s4, $0xb8;
	[tilespmem:$0xB400] =	vst v63  }
0x68: {  	_ =	swait.ge [sflag:s9], $0x2000  }
0x69: {  	[sflag:s9] =	ssyncset.done $0x0  }
0x6a: {  	s19 =	simm.s32 $0x0;
	[sflag:s9] =	ssyncadd.s32 $0xFFFFE000  }
0x6b: {  	v3 =	vld [tilespmem:s19+$0x3470]  }
0x6c: {  	v4 =	vld [tilespmem:s19+$0x3400]  }
0x6d: {  	v5 =	vld [tilespmem:s19+$0x3410]  }
0x6e: {  	v2 =	vld [tilespmem:s19+$0x3420]  }
0x6f: {  	v0 =	vld [tilespmem:s19+$0x3430]  }
0x70: {  	v1 =	vld [tilespmem:s19+$0x3440];
	[tilespmem:s19+$0x7470] =	vst v3  }
0x71: {  	[tilespmem:s19+$0x7400] =	vst v4;
	v3 =	vld [tilespmem:s19+$0x3450]  }
0x72: {  	s21 =	simm.s32 $0x400;
	s20 =	simm.s32 $0x80;
	[tilespmem:s19+$0x7410] =	vst v5;
	v4 =	vld [tilespmem:s19+$0x3460]  }
.LBB2_3:
0x73: {  	p0 =	sne.s32 s21, $0x7E00;
	v5 =	vld [tilespmem:s20+$0x3470];
	[tilespmem:s19+$0x7420] =	vst v2  }
0x74: {  	v6 =	vld [tilespmem:s20+$0x3400];
	[tilespmem:s19+$0x7430] =	vst v0  }
0x75: {  	v7 =	vld [tilespmem:s20+$0x3410];
	[tilespmem:s19+$0x7440] =	vst v1  }
.Ltmp0:
0x76: {  	v2 =	vld [tilespmem:s20+$0x3420];
	[tilespmem:s19+$0x7450] =	vst v3;
	(pc) =	sbr.rel @p0 .LBB2_3-.Ltmp0, $4  }
0x77: {  	v0 =	vld [tilespmem:s20+$0x3430];
	[tilespmem:s19+$0x7460] =	vst v4;
	s19 =	smov.u32 s20  }
0x78: {  	v1 =	vld [tilespmem:s19+$0x3440];
	[tilespmem:s19+$0x7470] =	vst v5  }
0x79: {  	[tilespmem:s19+$0x7400] =	vst v6;
	v3 =	vld [tilespmem:s19+$0x3450]  }
0x7a: {  	s20 =	sshra.s32 s21, $0x2;
	s21 =	sadd.s32 $0x200, s21;
	[tilespmem:s19+$0x7410] =	vst v7;
	v4 =	vld [tilespmem:s19+$0x3460]  }
0x7b: {  	v5 =	vld [tilespmem:s20+$0x3470];
	[tilespmem:s19+$0x7420] =	vst v2  }
0x7c: {  	v2 =	vld [tilespmem:s20+$0x3400];
	[tilespmem:s19+$0x7430] =	vst v0  }
0x7d: {  	v0 =	vld [tilespmem:s20+$0x3410];
	[tilespmem:s19+$0x7440] =	vst v1  }
0x7e: {  	v1 =	vld [tilespmem:s20+$0x3420];
	[tilespmem:s19+$0x7450] =	vst v3  }
0x7f: {  	v3 =	vld [tilespmem:s20+$0x3430];
	[tilespmem:s19+$0x7460] =	vst v4  }
0x80: {  	v4 =	vld [tilespmem:s20+$0x3440];
	[tilespmem:s20+$0x7470] =	vst v5  }
0x81: {  	[tilespmem:s20+$0x7400] =	vst v2;
	v2 =	vld [tilespmem:s20+$0x3450]  }
0x82: {  	[tilespmem:s20+$0x7410] =	vst v0;
	v0 =	vld [tilespmem:s20+$0x3460]  }
0x83: {  	[tilespmem:s20+$0x7420] =	vst v1  }
0x84: {  	[tilespmem:s20+$0x7430] =	vst v3  }
0x85: {  	[tilespmem:s20+$0x7440] =	vst v4  }
0x86: {  	s22 =	sshll.u32 s16, $0x10;
	p0 =	seq.s32 s16, $0xC;
	[tilespmem:s20+$0x7450] =	vst v2  }
0x87: {  	s18 =	sadd.s32 @!p0 $0x2, s18;
	s19 =	sadd.s32 s22, s31;
	[tilespmem:s20+$0x7460] =	vst v0  }
0x88: {  	[hbm4b:s19+s2] =	stream.linear.scatter [tilespmem:s10], [sflag:$0x4], $0x2000, $0x38;
	[tilespmem:$0xB400] =	vst v63  }
0x89: {  	s20 =	sshll.u32 @!p0 s18, $0x9;
	s18 =	smul.u32 @!p0 $0x30D40, s18;
	s19 =	simm.s32 @!p0 $0x4  }
0x8a: {  	_ =	swait.ge @!p0 [sflag:s19], $0x2000  }
0x8b: {  	s21 =	simm.s32 @!p0 $0x3400;
	s18 =	sadd.s32 @!p0 s3, s18;
	[sflag:s19] =	ssyncset.done @!p0 $0x0  }
0x8c: {  	[sflag:s19] =	ssyncadd.s32 @!p0 $0xFFFFE000;
	s19 =	sand.u32 @!p0 $0x3FFFFE00, s20;
	s20 =	simm.s32 @!p0 $0x80  }
0x8d: {  	[tilespmem:s21], [sflag:$0x2] =	stream.indirect.gather @!p0 [hbm4b:s18+s20], $0x10, s19, s20, $0xb8;
	[tilespmem:$0xB400] =	vst v63  }
0x8e: {  	s22 =	simm.s32 @!p0 $0x3C00;
	s21 =	sor.u32 @!p0 $0x80, s19  }
0x8f: {  	[tilespmem:s22], [sflag:$0x2] =	stream.indirect.gather @!p0 [hbm4b:s18+s20], $0x10, s21, s20, $0xb8;
	[tilespmem:$0xB400] =	vst v63  }
0x90: {  	s21 =	sor.u32 @!p0 $0x100, s19;
	s22 =	simm.s32 @!p0 $0x4400  }
0x91: {  	[tilespmem:s22], [sflag:$0x2] =	stream.indirect.gather @!p0 [hbm4b:s18+s20], $0x10, s21, s20, $0xb8;
	[tilespmem:$0xB400] =	vst v63  }
0x92: {  	s19 =	sor.u32 @!p0 $0x180, s19;
	s21 =	simm.s32 @!p0 $0x4C00  }
0x93: {  	[tilespmem:s21], [sflag:$0x2] =	stream.indirect.gather @!p0 [hbm4b:s18+s20], $0x10, s19, s20, $0xb8;
	[tilespmem:$0xB400] =	vst v63  }
0x94: {  	_ =	swait.ge [sflag:s11], $0x2000  }
0x95: {  	[sflag:s11] =	ssyncset.done $0x0  }
0x96: {  	s18 =	simm.s32 $0x0;
	[sflag:s11] =	ssyncadd.s32 $0xFFFFE000  }
0x97: {  	v3 =	vld [tilespmem:s18+$0x5470]  }
0x98: {  	v4 =	vld [tilespmem:s18+$0x5400]  }
0x99: {  	v5 =	vld [tilespmem:s18+$0x5410]  }
0x9a: {  	v2 =	vld [tilespmem:s18+$0x5420]  }
0x9b: {  	v0 =	vld [tilespmem:s18+$0x5430]  }
0x9c: {  	v1 =	vld [tilespmem:s18+$0x5440];
	[tilespmem:s18+$0x9470] =	vst v3  }
0x9d: {  	[tilespmem:s18+$0x9400] =	vst v4;
	v3 =	vld [tilespmem:s18+$0x5450]  }
0x9e: {  	s19 =	simm.s32 $0x80;
	s20 =	simm.s32 $0x400;
	[tilespmem:s18+$0x9410] =	vst v5;
	v4 =	vld [tilespmem:s18+$0x5460]  }
.LBB2_5:
0x9f: {  	p0 =	sne.s32 s20, $0x7E00;
	v5 =	vld [tilespmem:s19+$0x5470];
	[tilespmem:s18+$0x9420] =	vst v2  }
0xa0: {  	v6 =	vld [tilespmem:s19+$0x5400];
	[tilespmem:s18+$0x9430] =	vst v0  }
0xa1: {  	v7 =	vld [tilespmem:s19+$0x5410];
	[tilespmem:s18+$0x9440] =	vst v1  }
.Ltmp1:
0xa2: {  	v2 =	vld [tilespmem:s19+$0x5420];
	[tilespmem:s18+$0x9450] =	vst v3;
	(pc) =	sbr.rel @p0 .LBB2_5-.Ltmp1, $4  }
0xa3: {  	v0 =	vld [tilespmem:s19+$0x5430];
	[tilespmem:s18+$0x9460] =	vst v4;
	s18 =	smov.u32 s19  }
0xa4: {  	v1 =	vld [tilespmem:s18+$0x5440];
	[tilespmem:s18+$0x9470] =	vst v5  }
0xa5: {  	[tilespmem:s18+$0x9400] =	vst v6;
	v3 =	vld [tilespmem:s18+$0x5450]  }
0xa6: {  	s19 =	sshra.s32 s20, $0x2;
	s20 =	sadd.s32 $0x200, s20;
	[tilespmem:s18+$0x9410] =	vst v7;
	v4 =	vld [tilespmem:s18+$0x5460]  }
0xa7: {  	v5 =	vld [tilespmem:s19+$0x5470];
	[tilespmem:s18+$0x9420] =	vst v2  }
0xa8: {  	v2 =	vld [tilespmem:s19+$0x5400];
	[tilespmem:s18+$0x9430] =	vst v0  }
0xa9: {  	v0 =	vld [tilespmem:s19+$0x5410];
	[tilespmem:s18+$0x9440] =	vst v1  }
0xaa: {  	v1 =	vld [tilespmem:s19+$0x5420];
	[tilespmem:s18+$0x9450] =	vst v3  }
0xab: {  	v3 =	vld [tilespmem:s19+$0x5430];
	[tilespmem:s18+$0x9460] =	vst v4  }
0xac: {  	v4 =	vld [tilespmem:s19+$0x5440];
	[tilespmem:s19+$0x9470] =	vst v5  }
0xad: {  	v62 =	vld [tilespmem:s19+$0x5450];
	[tilespmem:s19+$0x9400] =	vst v2  }
0xae: {  	s16 =	sadd.s32 $0x1, s16;
	v63 =	vld [tilespmem:s19+$0x5460];
	[tilespmem:s19+$0x9410] =	vst v0  }
0xaf: {  	p0 =	sne.s32 s16, $0xD;
	[tilespmem:s19+$0x9420] =	vst v1  }
.Ltmp2:
0xb0: {  	[tilespmem:s19+$0x9430] =	vst v3;
	(pc) =	sbr.rel @p0 .LBB2_2-.Ltmp2, $4  }
0xb1: {  	[tilespmem:s19+$0x9440] =	vst v4  }
0xb2: {  	s17 =	sshll.u32 s17, $0xF;
	[tilespmem:s19+$0x9450] =	vst v62  }
0xb3: {  	s17 =	sadd.s32 s17, s31;
	[tilespmem:s19+$0x9460] =	vst v63  }
0xb4: {  	[hbm4b:s17+s2] =	stream.linear.scatter [tilespmem:s12], [sflag:$0x5], $0x2000, $0x38;
	[tilespmem:$0xB400] =	vst v63  }
0xb5: {  	s15 =	sadd.s32 $0x1, s15  }
0xb6: {  	_ =	swait.ge [sflag:s13], $0x2000;
	p0 =	sne.s32 s15, s0  }
.Ltmp3:
0xb7: {  	[sflag:s13] =	ssyncset.done $0x0;
	(pc) =	sbr.rel @p0 .LBB2_1-.Ltmp3, $4  }
0xb8: {  	[sflag:s13] =	ssyncadd.s32 $0xFFFFE000  }
0xb9: {  	_ =	swait.ge [sflag:s14], $0x2000  }
0xba: {  	[sflag:s14] =	ssyncset.done $0x0  }
0xbb: {  	[sflag:s14] =	ssyncadd.s32 $0xFFFFE000  }
0xbc: {  	_ =	sfence.sel $0x180000  }
0xbd: {  	[bflag:$0x0] =	sbarrier.arrive $0xFFFF  }
0xbe: {  	_ =	strace $0x90000047  }
0xbf: {  	s0 =	stileid.u32;
	[bflag:$0x2] =	sbarrier.arrive $0xFFFF  }
0xc0: {  	p0 =	sne.s32 s0, $0x0;
	s0 =	rddreg [dreg:$0x1]  }
0xc1: {  	s0 =	sadd.s32 @!p0 $0x100000, s0  }
0xc2: {  	[sflag:s0] =	ssyncadd.tile.s32 @!p0 $0x1;
	_ =	shalt  }
.Lfunc_end2:
_tile_overlayer_lowered:
.L_overlay_start_2:
0xc3: {  	(tag) =	ssettag $0x2  }
0xc4: {  	s0 =	rddreg [dreg:$0x0];
	s2 =	stileid.u32  }
0xc5: {  	s1 =	rddreg [dreg:$0x1];
	p0 =	sne.s32 s2, $0x0  }
0xc6: {  	s3 =	rddreg [dreg:$0x2];
	[bflag:$0x3] =	sbarrier.arrive $0xFFFF;
	s2 =	simm.s32 @!p0 $0x1C06  }
0xc7: {  	[timem:s3], [sflag:s2] =	dma.local @!p0 [hbm:s0], s1  }
0xc8: {  	s0 =	simm.s32 @!p0 $0x6  }
0xc9: {  	_ =	swait.ge @!p0 [sflag:s0], s1  }
0xca: {  	s1 =	ssub.s32 @!p0 $0x0, s1;
	[sflag:s0] =	ssyncset.done @!p0 $0x0  }
0xcb: {  	[sflag:s0] =	ssyncadd.s32 @!p0 s1  }
0xcc: {  	[bflag:$0x3] =	sbarrier.arrive $0xFFFF  }
0xcd: {  	_ =	shalt  }

</sc_bundles>
